<compile_context>
chip_gen: v7x
topology: tpu7x:2x2x1
jax: 0.10.2.dev20260603
libtpu: 0.0.44.dev20260713+nightly
codegen_flags: <defaults>
</compile_context>

<pallas_src>
import functools

import jax
import jax.numpy as jnp
from jax import lax
from jax.experimental import pallas as pl
from jax.experimental.pallas import tpu as pltpu
from jax.experimental.pallas import tpu_sc as plsc

LANES = 128
NW = 32


NBUF = 2
IBUF = 4

FASTC = 0
GPF = 152
GPS = 8


def _sc_aggregate(node, e2, n_acc, gpf, gps):
    n, d = node.shape
    rpt = n_acc // 16
    nzc = rpt // LANES
    mesh = plsc.VectorSubcoreMesh(core_axis_name="c", subcore_axis_name="s")

    @functools.partial(
        pl.kernel,
        out_type=jax.ShapeDtypeStruct((2, n_acc, d), jnp.float32),
        mesh=mesh,
        scratch_types=[
            pltpu.VMEM((IBUF, 2, LANES), jnp.int32),
            pltpu.VMEM((NBUF, LANES, d), jnp.float32),
            pltpu.VMEM_SHARED((n_acc, d), jnp.float32),
        ] + [pltpu.SemaphoreType.DMA] * (NBUF + IBUF),
    )
    def k(node_hbm, e2_hbm, out_hbm, idx, rows, aggr, *sems):
        gsem = sems[:NBUF]
        isem = sems[NBUF:]
        c = lax.axis_index("c")
        s = lax.axis_index("s")
        fast = c == FASTC
        gcnt = jnp.where(fast, gpf, gps)
        gbase = jnp.where(fast, s * gpf, 16 * gpf + s * gps)

        for q in range(IBUF):
            pltpu.async_copy(e2_hbm.at[gbase + q], idx.at[q], isem[q])

        def zrow(r, carry):
            for j in range(d // 16):
                rows[0, r, pl.ds(j * 16, 16)] = jnp.zeros((16,), jnp.float32)
            return carry
        lax.fori_loop(0, LANES, zrow, 0)
        for kk in range(nzc):
            pltpu.sync_copy(rows.at[0],
                            aggr.at[pl.ds(s * rpt + kk * LANES, LANES)])

        for b in range(NBUF):
            pltpu.make_async_copy(e2_hbm.at[gbase + b], idx.at[b],
                                  isem[b]).wait()
            pltpu.async_copy(node_hbm.at[idx.at[b, 0]], rows.at[b], gsem[b])
        plsc.subcore_barrier()

        def step(g, j, fetch_ahead, gather_ahead):
            b = j % NBUF
            q = j % IBUF
            pltpu.make_async_copy(node_hbm.at[idx.at[q, 0]],
                                  rows.at[b], gsem[b]).wait()
            pltpu.sync_copy(rows.at[b], aggr.at[idx.at[q, 1]], add=True)
            if fetch_ahead:
                pltpu.async_copy(e2_hbm.at[gbase + g + IBUF], idx.at[q],
                                 isem[q])
            if gather_ahead:
                q2 = (j + NBUF) % IBUF
                pltpu.make_async_copy(e2_hbm.at[gbase + g + NBUF],
                                      idx.at[q2], isem[q2]).wait()
                pltpu.async_copy(node_hbm.at[idx.at[q2, 0]], rows.at[b],
                                 gsem[b])

        def body(kk, carry):
            for j in range(IBUF):
                step(kk * IBUF + j, j, True, True)
            return carry
        lax.fori_loop(0, gcnt // IBUF - 1, body, 0)
        for j in range(IBUF):
            g = gcnt - IBUF + j
            step(g, j, False, j + NBUF < IBUF)

        plsc.subcore_barrier()
        pltpu.sync_copy(aggr.at[pl.ds(s * rpt, rpt)],
                        out_hbm.at[c, pl.ds(s * rpt, rpt)])

    return k(node, e2)


def _mlp_block(node_ref, p0_ref, p1_ref, w1_ref, w2_ref, w3_ref, v_ref,
               eps_ref, out_ref):
    def ln(x, g, b):
        mu = jnp.mean(x, axis=-1, keepdims=True)
        var = jnp.mean((x - mu) ** 2, axis=-1, keepdims=True)
        return (x - mu) * lax.rsqrt(var + 1e-5) * g + b

    b1 = v_ref[0:1, :]
    g1 = v_ref[1:2, :]
    be1 = v_ref[2:3, :]
    b2 = v_ref[3:4, :]
    g2 = v_ref[4:5, :]
    be2 = v_ref[5:6, :]
    b3 = v_ref[6:7, :]
    gn = v_ref[7:8, :]
    bn = v_ref[8:9, :]

    h = (1.0 + eps_ref[0]) * node_ref[...] + p0_ref[0] + p1_ref[0]
    x = jnp.dot(h, w1_ref[...], preferred_element_type=jnp.float32) + b1
    x = jnp.maximum(ln(x, g1, be1), 0.0)
    x = jnp.dot(x, w2_ref[...], preferred_element_type=jnp.float32) + b2
    x = jnp.maximum(ln(x, g2, be2), 0.0)
    x = jnp.dot(x, w3_ref[...], preferred_element_type=jnp.float32) + b3
    out_ref[...] = jnp.maximum(ln(x, gn, bn), 0.0)


def kernel(node, edge_index, edge_attr, batch_ptr, W1, b1, g1, be1,
           W2, b2, g2, be2, W3, b3, eps, gN, bN):
    n, d = node.shape
    e = edge_index.shape[1]

    scale = -(-e // (16 * (GPF + GPS) * LANES))
    gpf, gps = GPF * scale, GPS * scale
    gt = 16 * (gpf + gps)
    pad = gt * LANES - e
    src = edge_index[0].astype(jnp.int32)
    dst = edge_index[1].astype(jnp.int32)
    if pad:
        src = jnp.concatenate([src, jnp.zeros((pad,), jnp.int32)])
        dst = jnp.concatenate([dst, jnp.full((pad,), n, jnp.int32)])
    e2 = jnp.stack([src.reshape(gt, LANES), dst.reshape(gt, LANES)], axis=1)

    n_acc = -(-(n + 1) // (16 * LANES)) * (16 * LANES)

    partials = _sc_aggregate(node, e2, n_acc, gpf, gps)

    rb = 1000
    grid = (n // rb,)
    vecs = jnp.stack([b1, g1, be1, b2, g2, be2, b3, gN, bN])
    eps2 = jnp.reshape(eps, (1,))

    out = pl.pallas_call(
        _mlp_block,
        grid=grid,
        in_specs=[
            pl.BlockSpec((rb, d), lambda i: (i, 0)),
            pl.BlockSpec((1, rb, d), lambda i: (0, i, 0)),
            pl.BlockSpec((1, rb, d), lambda i: (1, i, 0)),
            pl.BlockSpec((d, d), lambda i: (0, 0)),
            pl.BlockSpec((d, d), lambda i: (0, 0)),
            pl.BlockSpec((d, d), lambda i: (0, 0)),
            pl.BlockSpec((9, d), lambda i: (0, 0)),
            pl.BlockSpec(memory_space=pltpu.SMEM),
        ],
        out_specs=pl.BlockSpec((rb, d), lambda i: (i, 0)),
        out_shape=jax.ShapeDtypeStruct((n, d), jnp.float32),
    )(node, partials, partials, W1, W2, W3, vecs, eps2)
    return out

# --- scband reference (transcript-rebuilt; emitter-appended) ---
"""Pipeline reference for scband-ginconv-layer-25031069401546 (READ-ONLY COPY).

The authoritative reference and input builder live on the scoring server;
editing this copy changes nothing except your own understanding.
"""

import jax, jax.numpy as jnp
import numpy as np

N = 10000
E = 320000
D = 128


def _ln(x, gamma, beta, eps=1e-5):
    mu = jnp.mean(x, axis=-1, keepdims=True)
    var = jnp.mean((x - mu) ** 2, axis=-1, keepdims=True)
    return (x - mu) / jnp.sqrt(var + eps) * gamma + beta


def setup_inputs(seed: int = 0) -> dict:
    key = jax.random.key(seed)
    ks = jax.random.split(key, 16)
    s = 1.0 / np.sqrt(D)
    inp = {
        "node": jax.random.normal(ks[0], (N, D), dtype=jnp.float32),
        "edge_index": jax.random.randint(ks[1], (2, E), 0, N, dtype=jnp.int64) if jax.config.jax_enable_x64 else jax.random.randint(ks[1], (2, E), 0, N).astype(jnp.int32),
        "edge_attr": jax.random.normal(ks[2], (E, 16), dtype=jnp.float32),
        "batch_ptr": jnp.array([0, N], dtype=jnp.int32),
        "W1": jax.random.normal(ks[3], (D, D), dtype=jnp.float32) * s,
        "b1": jnp.zeros((D,), dtype=jnp.float32),
        "g1": jnp.ones((D,), dtype=jnp.float32),
        "be1": jnp.zeros((D,), dtype=jnp.float32),
        "W2": jax.random.normal(ks[4], (D, D), dtype=jnp.float32) * s,
        "b2": jnp.zeros((D,), dtype=jnp.float32),
        "g2": jnp.ones((D,), dtype=jnp.float32),
        "be2": jnp.zeros((D,), dtype=jnp.float32),
        "W3": jax.random.normal(ks[5], (D, D), dtype=jnp.float32) * s,
        "b3": jnp.zeros((D,), dtype=jnp.float32),
        "eps": jnp.zeros((), dtype=jnp.float32),
        "gN": jnp.ones((D,), dtype=jnp.float32),
        "bN": jnp.zeros((D,), dtype=jnp.float32),
    }
    return inp


def reference(node, edge_index, edge_attr, batch_ptr, W1, b1, g1, be1, W2, b2, g2, be2, W3, b3, eps, gN, bN):
    # GINConv: sum-aggregate messages x_j from source to destination nodes
    src = edge_index[0]
    dst = edge_index[1]
    aggr = jnp.zeros_like(node).at[dst].add(node[src])
    h = (1.0 + eps) * node + aggr
    # MLP(in->hidden->out, num_layers=3, LayerNorm + ReLU between, plain last layer)
    h = _ln(h @ W1 + b1, g1, be1)
    h = jax.nn.relu(h)
    h = _ln(h @ W2 + b2, g2, be2)
    h = jax.nn.relu(h)
    h = h @ W3 + b3
    # outer Norm + ReLU (skip_connection=False)
    out = jax.nn.relu(_ln(h, gN, bN))
    return out

if __name__ == "__main__":
    import jax
    _d = setup_inputs()
    print(jax.jit(kernel)(*tuple(_d.values())))

</pallas_src>

<mosaic_0001>
#map = affine_map<(d0, d1) -> (0, 0)>
#map1 = affine_map<(d0, d1) -> (0, 0, 0)>
module attributes {stable_mosaic.version = 14 : i64} {
  func.func @k(%arg0: i32, %arg1: i32, %arg2: memref<10000x128xf32, #tpu.memory_space<hbm>>, %arg3: memref<2560x2x128xi32, #tpu.memory_space<hbm>>, %arg4: memref<2x10240x128xf32, #tpu.memory_space<hbm>>, %arg5: memref<4x2x128xi32, #tpu.memory_space<vmem>>, %arg6: memref<2x128x128xf32, #tpu.memory_space<vmem>>, %arg7: memref<10240x128xf32, #tpu.memory_space<vmem_shared>>, %arg8: memref<!tpu.dma_semaphore, #tpu.memory_space<semaphore_mem>>, %arg9: memref<!tpu.dma_semaphore, #tpu.memory_space<semaphore_mem>>, %arg10: memref<!tpu.dma_semaphore, #tpu.memory_space<semaphore_mem>>, %arg11: memref<!tpu.dma_semaphore, #tpu.memory_space<semaphore_mem>>, %arg12: memref<!tpu.dma_semaphore, #tpu.memory_space<semaphore_mem>>, %arg13: memref<!tpu.dma_semaphore, #tpu.memory_space<semaphore_mem>>) attributes {dimension_semantics = [#tpu.dimension_semantics<core_parallel>, #tpu.dimension_semantics<subcore_parallel>], iteration_bounds = array<i64: 2, 16>, scalar_prefetch = 0 : i64, scratch_operands = 9 : i64, tpu.core_type = #tpu.core_type<sc_vector_subcore>, window_params = [{transform_indices = #map}, {transform_indices = #map1}, {transform_indices = #map1}]} {
    %eq3A = arith.constant 0 : i32
    %eq3A_0 = arith.cmpi eq, %arg0, %eq3A : i32
    %jit3A = arith.constant 152 : i32
    %jit3A_1 = arith.constant 8 : i32
    %select_n3A = arith.select %eq3A_0, %jit3A, %jit3A_1 : i32
    %mul3A = arith.constant 152 : i32
    %mul3A_2 = arith.muli %arg1, %mul3A : i32
    %mul3A_3 = arith.constant 8 : i32
    %mul3A_4 = arith.muli %arg1, %mul3A_3 : i32
    %add3A = arith.constant 2432 : i32
    %add3A_5 = arith.addi %add3A, %mul3A_4 : i32
    %select_n3A_6 = arith.select %eq3A_0, %mul3A_2, %add3A_5 : i32
    %add3A_7 = arith.constant 0 : i32
    %add3A_8 = arith.addi %select_n3A_6, %add3A_7 : i32
    %dma_start3A = arith.constant 0 : i32
    %dma_start3A_9 = arith.constant 0 : i32
    %dma_start3A_10 = arith.constant 0 : i32
    %dma_start3A_11 = tpu.memref_slice %arg5[%dma_start3A, %dma_start3A_9, %dma_start3A_10] : memref<4x2x128xi32, #tpu.memory_space<vmem>> -> memref<1x2x128xi32, #tpu.memory_space<vmem>>
    %dma_start3A_12 = tpu.memref_squeeze %dma_start3A_11 : memref<1x2x128xi32, #tpu.memory_space<vmem>> -> memref<2x128xi32, #tpu.memory_space<vmem>>
    %dma_start3A_13 = arith.constant 0 : i32
    %dma_start3A_14 = arith.constant 0 : i32
    %dma_start3A_15 = tpu.memref_slice %arg3[%add3A_8, %dma_start3A_13, %dma_start3A_14] : memref<2560x2x128xi32, #tpu.memory_space<hbm>> -> memref<1x2x128xi32, #tpu.memory_space<hbm>>
    %dma_start3A_16 = tpu.memref_squeeze %dma_start3A_15 : memref<1x2x128xi32, #tpu.memory_space<hbm>> -> memref<2x128xi32, #tpu.memory_space<hbm>>
    %dma_start3A_17 = arith.constant 0 : i32
    %dma_start3A_18 = arith.constant 0 : i32
    %dma_start3A_19 = tpu.memref_slice %arg5[%dma_start3A, %dma_start3A_17, %dma_start3A_18] : memref<4x2x128xi32, #tpu.memory_space<vmem>> -> memref<1x2x128xi32, #tpu.memory_space<vmem>>
    %dma_start3A_20 = tpu.memref_squeeze %dma_start3A_19 : memref<1x2x128xi32, #tpu.memory_space<vmem>> -> memref<2x128xi32, #tpu.memory_space<vmem>>
    %dma_start3A_21 = arith.constant 0 : i32
    %dma_start3A_22 = arith.constant 0 : i32
    %dma_start3A_23 = tpu.memref_slice %arg3[%add3A_8, %dma_start3A_21, %dma_start3A_22] : memref<2560x2x128xi32, #tpu.memory_space<hbm>> -> memref<1x2x128xi32, #tpu.memory_space<hbm>>
    %dma_start3A_24 = tpu.memref_squeeze %dma_start3A_23 : memref<1x2x128xi32, #tpu.memory_space<hbm>> -> memref<2x128xi32, #tpu.memory_space<hbm>>
    tpu.enqueue_dma source(%dma_start3A_24 : memref<2x128xi32, #tpu.memory_space<hbm>>) target(%dma_start3A_20 : memref<2x128xi32, #tpu.memory_space<vmem>>) target_semaphore(%arg10 : memref<!tpu.dma_semaphore, #tpu.memory_space<semaphore_mem>>)
    %add3A_25 = arith.constant 1 : i32
    %add3A_26 = arith.addi %select_n3A_6, %add3A_25 : i32
    %dma_start3A_27 = arith.constant 1 : i32
    %dma_start3A_28 = arith.constant 0 : i32
    %dma_start3A_29 = arith.constant 0 : i32
    %dma_start3A_30 = tpu.memref_slice %arg5[%dma_start3A_27, %dma_start3A_28, %dma_start3A_29] : memref<4x2x128xi32, #tpu.memory_space<vmem>> -> memref<1x2x128xi32, #tpu.memory_space<vmem>>
    %dma_start3A_31 = tpu.memref_squeeze %dma_start3A_30 : memref<1x2x128xi32, #tpu.memory_space<vmem>> -> memref<2x128xi32, #tpu.memory_space<vmem>>
    %dma_start3A_32 = arith.constant 0 : i32
    %dma_start3A_33 = arith.constant 0 : i32
    %dma_start3A_34 = tpu.memref_slice %arg3[%add3A_26, %dma_start3A_32, %dma_start3A_33] : memref<2560x2x128xi32, #tpu.memory_space<hbm>> -> memref<1x2x128xi32, #tpu.memory_space<hbm>>
    %dma_start3A_35 = tpu.memref_squeeze %dma_start3A_34 : memref<1x2x128xi32, #tpu.memory_space<hbm>> -> memref<2x128xi32, #tpu.memory_space<hbm>>
    %dma_start3A_36 = arith.constant 0 : i32
    %dma_start3A_37 = arith.constant 0 : i32
    %dma_start3A_38 = tpu.memref_slice %arg5[%dma_start3A_27, %dma_start3A_36, %dma_start3A_37] : memref<4x2x128xi32, #tpu.memory_space<vmem>> -> memref<1x2x128xi32, #tpu.memory_space<vmem>>
    %dma_start3A_39 = tpu.memref_squeeze %dma_start3A_38 : memref<1x2x128xi32, #tpu.memory_space<vmem>> -> memref<2x128xi32, #tpu.memory_space<vmem>>
    %dma_start3A_40 = arith.constant 0 : i32
    %dma_start3A_41 = arith.constant 0 : i32
    %dma_start3A_42 = tpu.memref_slice %arg3[%add3A_26, %dma_start3A_40, %dma_start3A_41] : memref<2560x2x128xi32, #tpu.memory_space<hbm>> -> memref<1x2x128xi32, #tpu.memory_space<hbm>>
    %dma_start3A_43 = tpu.memref_squeeze %dma_start3A_42 : memref<1x2x128xi32, #tpu.memory_space<hbm>> -> memref<2x128xi32, #tpu.memory_space<hbm>>
    tpu.enqueue_dma source(%dma_start3A_43 : memref<2x128xi32, #tpu.memory_space<hbm>>) target(%dma_start3A_39 : memref<2x128xi32, #tpu.memory_space<vmem>>) target_semaphore(%arg11 : memref<!tpu.dma_semaphore, #tpu.memory_space<semaphore_mem>>)
    %add3A_44 = arith.constant 2 : i32
    %add3A_45 = arith.addi %select_n3A_6, %add3A_44 : i32
    %dma_start3A_46 = arith.constant 2 : i32
    %dma_start3A_47 = arith.constant 0 : i32
    %dma_start3A_48 = arith.constant 0 : i32
    %dma_start3A_49 = tpu.memref_slice %arg5[%dma_start3A_46, %dma_start3A_47, %dma_start3A_48] : memref<4x2x128xi32, #tpu.memory_space<vmem>> -> memref<1x2x128xi32, #tpu.memory_space<vmem>>
    %dma_start3A_50 = tpu.memref_squeeze %dma_start3A_49 : memref<1x2x128xi32, #tpu.memory_space<vmem>> -> memref<2x128xi32, #tpu.memory_space<vmem>>
    %dma_start3A_51 = arith.constant 0 : i32
    %dma_start3A_52 = arith.constant 0 : i32
    %dma_start3A_53 = tpu.memref_slice %arg3[%add3A_45, %dma_start3A_51, %dma_start3A_52] : memref<2560x2x128xi32, #tpu.memory_space<hbm>> -> memref<1x2x128xi32, #tpu.memory_space<hbm>>
    %dma_start3A_54 = tpu.memref_squeeze %dma_start3A_53 : memref<1x2x128xi32, #tpu.memory_space<hbm>> -> memref<2x128xi32, #tpu.memory_space<hbm>>
    %dma_start3A_55 = arith.constant 0 : i32
    %dma_start3A_56 = arith.constant 0 : i32
    %dma_start3A_57 = tpu.memref_slice %arg5[%dma_start3A_46, %dma_start3A_55, %dma_start3A_56] : memref<4x2x128xi32, #tpu.memory_space<vmem>> -> memref<1x2x128xi32, #tpu.memory_space<vmem>>
    %dma_start3A_58 = tpu.memref_squeeze %dma_start3A_57 : memref<1x2x128xi32, #tpu.memory_space<vmem>> -> memref<2x128xi32, #tpu.memory_space<vmem>>
    %dma_start3A_59 = arith.constant 0 : i32
    %dma_start3A_60 = arith.constant 0 : i32
    %dma_start3A_61 = tpu.memref_slice %arg3[%add3A_45, %dma_start3A_59, %dma_start3A_60] : memref<2560x2x128xi32, #tpu.memory_space<hbm>> -> memref<1x2x128xi32, #tpu.memory_space<hbm>>
    %dma_start3A_62 = tpu.memref_squeeze %dma_start3A_61 : memref<1x2x128xi32, #tpu.memory_space<hbm>> -> memref<2x128xi32, #tpu.memory_space<hbm>>
    tpu.enqueue_dma source(%dma_start3A_62 : memref<2x128xi32, #tpu.memory_space<hbm>>) target(%dma_start3A_58 : memref<2x128xi32, #tpu.memory_space<vmem>>) target_semaphore(%arg12 : memref<!tpu.dma_semaphore, #tpu.memory_space<semaphore_mem>>)
    %add3A_63 = arith.constant 3 : i32
    %add3A_64 = arith.addi %select_n3A_6, %add3A_63 : i32
    %dma_start3A_65 = arith.constant 3 : i32
    %dma_start3A_66 = arith.constant 0 : i32
    %dma_start3A_67 = arith.constant 0 : i32
    %dma_start3A_68 = tpu.memref_slice %arg5[%dma_start3A_65, %dma_start3A_66, %dma_start3A_67] : memref<4x2x128xi32, #tpu.memory_space<vmem>> -> memref<1x2x128xi32, #tpu.memory_space<vmem>>
    %dma_start3A_69 = tpu.memref_squeeze %dma_start3A_68 : memref<1x2x128xi32, #tpu.memory_space<vmem>> -> memref<2x128xi32, #tpu.memory_space<vmem>>
    %dma_start3A_70 = arith.constant 0 : i32
    %dma_start3A_71 = arith.constant 0 : i32
    %dma_start3A_72 = tpu.memref_slice %arg3[%add3A_64, %dma_start3A_70, %dma_start3A_71] : memref<2560x2x128xi32, #tpu.memory_space<hbm>> -> memref<1x2x128xi32, #tpu.memory_space<hbm>>
    %dma_start3A_73 = tpu.memref_squeeze %dma_start3A_72 : memref<1x2x128xi32, #tpu.memory_space<hbm>> -> memref<2x128xi32, #tpu.memory_space<hbm>>
    %dma_start3A_74 = arith.constant 0 : i32
    %dma_start3A_75 = arith.constant 0 : i32
    %dma_start3A_76 = tpu.memref_slice %arg5[%dma_start3A_65, %dma_start3A_74, %dma_start3A_75] : memref<4x2x128xi32, #tpu.memory_space<vmem>> -> memref<1x2x128xi32, #tpu.memory_space<vmem>>
    %dma_start3A_77 = tpu.memref_squeeze %dma_start3A_76 : memref<1x2x128xi32, #tpu.memory_space<vmem>> -> memref<2x128xi32, #tpu.memory_space<vmem>>
    %dma_start3A_78 = arith.constant 0 : i32
    %dma_start3A_79 = arith.constant 0 : i32
    %dma_start3A_80 = tpu.memref_slice %arg3[%add3A_64, %dma_start3A_78, %dma_start3A_79] : memref<2560x2x128xi32, #tpu.memory_space<hbm>> -> memref<1x2x128xi32, #tpu.memory_space<hbm>>
    %dma_start3A_81 = tpu.memref_squeeze %dma_start3A_80 : memref<1x2x128xi32, #tpu.memory_space<hbm>> -> memref<2x128xi32, #tpu.memory_space<hbm>>
    tpu.enqueue_dma source(%dma_start3A_81 : memref<2x128xi32, #tpu.memory_space<hbm>>) target(%dma_start3A_77 : memref<2x128xi32, #tpu.memory_space<vmem>>) target_semaphore(%arg13 : memref<!tpu.dma_semaphore, #tpu.memory_space<semaphore_mem>>)
    %scan3A = arith.constant 0 : i32
    %scan3A_82 = arith.constant 0 : i32
    %scan3A_83 = arith.constant 128 : i32
    %scan3A_84 = arith.addi %scan3A_82, %scan3A_83 : i32
    %scan3A_85 = arith.constant 1 : i32
    scf.for %scan3A_354 = %scan3A_82 to %scan3A_84 step %scan3A_85  : i32 {
      %broadcast_in_dim3A = arith.constant 0.000000e+00 : f32
      %broadcast_in_dim3A_355 = vector.broadcast %broadcast_in_dim3A : f32 to vector<16xf32>
      %swap3A = arith.constant 0 : i32
      %swap3A_356 = arith.index_cast %swap3A : i32 to index
      %swap3A_357 = arith.index_cast %scan3A_354 : i32 to index
      %swap3A_358 = arith.constant 0 : index
      %swap3A_359 = tpu.vector_load %arg6[%swap3A_356, %swap3A_357, %swap3A_358] {strides = array<i32>} : memref<2x128x128xf32, #tpu.memory_space<vmem>>, vector<1x1x16xf32>,
      %swap3A_360 = vector.shape_cast %swap3A_359 : vector<1x1x16xf32> to vector<16xf32>
      %swap3A_361 = vector.shape_cast %broadcast_in_dim3A_355 : vector<16xf32> to vector<1x1x16xf32>
      tpu.vector_store %arg6[%swap3A_356, %swap3A_357, %swap3A_358], %swap3A_361 {strides = array<i32>} : memref<2x128x128xf32, #tpu.memory_space<vmem>>, vector<1x1x16xf32>,
      %broadcast_in_dim3A_362 = arith.constant 0.000000e+00 : f32
      %broadcast_in_dim3A_363 = vector.broadcast %broadcast_in_dim3A_362 : f32 to vector<16xf32>
      %swap3A_364 = arith.constant 0 : i32
      %swap3A_365 = arith.index_cast %swap3A_364 : i32 to index
      %swap3A_366 = arith.index_cast %scan3A_354 : i32 to index
      %swap3A_367 = arith.constant 16 : index
      %swap3A_368 = tpu.vector_load %arg6[%swap3A_365, %swap3A_366, %swap3A_367] {strides = array<i32>} : memref<2x128x128xf32, #tpu.memory_space<vmem>>, vector<1x1x16xf32>,
      %swap3A_369 = vector.shape_cast %swap3A_368 : vector<1x1x16xf32> to vector<16xf32>
      %swap3A_370 = vector.shape_cast %broadcast_in_dim3A_363 : vector<16xf32> to vector<1x1x16xf32>
      tpu.vector_store %arg6[%swap3A_365, %swap3A_366, %swap3A_367], %swap3A_370 {strides = array<i32>} : memref<2x128x128xf32, #tpu.memory_space<vmem>>, vector<1x1x16xf32>,
      %broadcast_in_dim3A_371 = arith.constant 0.000000e+00 : f32
      %broadcast_in_dim3A_372 = vector.broadcast %broadcast_in_dim3A_371 : f32 to vector<16xf32>
      %swap3A_373 = arith.constant 0 : i32
      %swap3A_374 = arith.index_cast %swap3A_373 : i32 to index
      %swap3A_375 = arith.index_cast %scan3A_354 : i32 to index
      %swap3A_376 = arith.constant 32 : index
      %swap3A_377 = tpu.vector_load %arg6[%swap3A_374, %swap3A_375, %swap3A_376] {strides = array<i32>} : memref<2x128x128xf32, #tpu.memory_space<vmem>>, vector<1x1x16xf32>,
      %swap3A_378 = vector.shape_cast %swap3A_377 : vector<1x1x16xf32> to vector<16xf32>
      %swap3A_379 = vector.shape_cast %broadcast_in_dim3A_372 : vector<16xf32> to vector<1x1x16xf32>
      tpu.vector_store %arg6[%swap3A_374, %swap3A_375, %swap3A_376], %swap3A_379 {strides = array<i32>} : memref<2x128x128xf32, #tpu.memory_space<vmem>>, vector<1x1x16xf32>,
      %broadcast_in_dim3A_380 = arith.constant 0.000000e+00 : f32
      %broadcast_in_dim3A_381 = vector.broadcast %broadcast_in_dim3A_380 : f32 to vector<16xf32>
      %swap3A_382 = arith.constant 0 : i32
      %swap3A_383 = arith.index_cast %swap3A_382 : i32 to index
      %swap3A_384 = arith.index_cast %scan3A_354 : i32 to index
      %swap3A_385 = arith.constant 48 : index
      %swap3A_386 = tpu.vector_load %arg6[%swap3A_383, %swap3A_384, %swap3A_385] {strides = array<i32>} : memref<2x128x128xf32, #tpu.memory_space<vmem>>, vector<1x1x16xf32>,
      %swap3A_387 = vector.shape_cast %swap3A_386 : vector<1x1x16xf32> to vector<16xf32>
      %swap3A_388 = vector.shape_cast %broadcast_in_dim3A_381 : vector<16xf32> to vector<1x1x16xf32>
      tpu.vector_store %arg6[%swap3A_383, %swap3A_384, %swap3A_385], %swap3A_388 {strides = array<i32>} : memref<2x128x128xf32, #tpu.memory_space<vmem>>, vector<1x1x16xf32>,
      %broadcast_in_dim3A_389 = arith.constant 0.000000e+00 : f32
      %broadcast_in_dim3A_390 = vector.broadcast %broadcast_in_dim3A_389 : f32 to vector<16xf32>
      %swap3A_391 = arith.constant 0 : i32
      %swap3A_392 = arith.index_cast %swap3A_391 : i32 to index
      %swap3A_393 = arith.index_cast %scan3A_354 : i32 to index
      %swap3A_394 = arith.constant 64 : index
      %swap3A_395 = tpu.vector_load %arg6[%swap3A_392, %swap3A_393, %swap3A_394] {strides = array<i32>} : memref<2x128x128xf32, #tpu.memory_space<vmem>>, vector<1x1x16xf32>,
      %swap3A_396 = vector.shape_cast %swap3A_395 : vector<1x1x16xf32> to vector<16xf32>
      %swap3A_397 = vector.shape_cast %broadcast_in_dim3A_390 : vector<16xf32> to vector<1x1x16xf32>
      tpu.vector_store %arg6[%swap3A_392, %swap3A_393, %swap3A_394], %swap3A_397 {strides = array<i32>} : memref<2x128x128xf32, #tpu.memory_space<vmem>>, vector<1x1x16xf32>,
      %broadcast_in_dim3A_398 = arith.constant 0.000000e+00 : f32
      %broadcast_in_dim3A_399 = vector.broadcast %broadcast_in_dim3A_398 : f32 to vector<16xf32>
      %swap3A_400 = arith.constant 0 : i32
      %swap3A_401 = arith.index_cast %swap3A_400 : i32 to index
      %swap3A_402 = arith.index_cast %scan3A_354 : i32 to index
      %swap3A_403 = arith.constant 80 : index
      %swap3A_404 = tpu.vector_load %arg6[%swap3A_401, %swap3A_402, %swap3A_403] {strides = array<i32>} : memref<2x128x128xf32, #tpu.memory_space<vmem>>, vector<1x1x16xf32>,
      %swap3A_405 = vector.shape_cast %swap3A_404 : vector<1x1x16xf32> to vector<16xf32>
      %swap3A_406 = vector.shape_cast %broadcast_in_dim3A_399 : vector<16xf32> to vector<1x1x16xf32>
      tpu.vector_store %arg6[%swap3A_401, %swap3A_402, %swap3A_403], %swap3A_406 {strides = array<i32>} : memref<2x128x128xf32, #tpu.memory_space<vmem>>, vector<1x1x16xf32>,
      %broadcast_in_dim3A_407 = arith.constant 0.000000e+00 : f32
      %broadcast_in_dim3A_408 = vector.broadcast %broadcast_in_dim3A_407 : f32 to vector<16xf32>
      %swap3A_409 = arith.constant 0 : i32
      %swap3A_410 = arith.index_cast %swap3A_409 : i32 to index
      %swap3A_411 = arith.index_cast %scan3A_354 : i32 to index
      %swap3A_412 = arith.constant 96 : index
      %swap3A_413 = tpu.vector_load %arg6[%swap3A_410, %swap3A_411, %swap3A_412] {strides = array<i32>} : memref<2x128x128xf32, #tpu.memory_space<vmem>>, vector<1x1x16xf32>,
      %swap3A_414 = vector.shape_cast %swap3A_413 : vector<1x1x16xf32> to vector<16xf32>
      %swap3A_415 = vector.shape_cast %broadcast_in_dim3A_408 : vector<16xf32> to vector<1x1x16xf32>
      tpu.vector_store %arg6[%swap3A_410, %swap3A_411, %swap3A_412], %swap3A_415 {strides = array<i32>} : memref<2x128x128xf32, #tpu.memory_space<vmem>>, vector<1x1x16xf32>,
      %broadcast_in_dim3A_416 = arith.constant 0.000000e+00 : f32
      %broadcast_in_dim3A_417 = vector.broadcast %broadcast_in_dim3A_416 : f32 to vector<16xf32>
      %swap3A_418 = arith.constant 0 : i32
      %swap3A_419 = arith.index_cast %swap3A_418 : i32 to index
      %swap3A_420 = arith.index_cast %scan3A_354 : i32 to index
      %swap3A_421 = arith.constant 112 : index
      %swap3A_422 = tpu.vector_load %arg6[%swap3A_419, %swap3A_420, %swap3A_421] {strides = array<i32>} : memref<2x128x128xf32, #tpu.memory_space<vmem>>, vector<1x1x16xf32>,
      %swap3A_423 = vector.shape_cast %swap3A_422 : vector<1x1x16xf32> to vector<16xf32>
      %swap3A_424 = vector.shape_cast %broadcast_in_dim3A_417 : vector<16xf32> to vector<1x1x16xf32>
      tpu.vector_store %arg6[%swap3A_419, %swap3A_420, %swap3A_421], %swap3A_424 {strides = array<i32>} : memref<2x128x128xf32, #tpu.memory_space<vmem>>, vector<1x1x16xf32>,
    }
    %scan3A_86 = arith.constant 128 : i32
    %mul3A_87 = arith.constant 640 : i32
    %mul3A_88 = arith.muli %arg1, %mul3A_87 : i32
    %add3A_89 = arith.constant 0 : i32
    %add3A_90 = arith.addi %mul3A_88, %add3A_89 : i32
    %run_scoped3A = arith.constant 0 : i32
    "tpu.region"() ({
      %run_scoped3A_354 = tpu.sem_alloc : memref<!tpu.dma_semaphore, #tpu.memory_space<semaphore_mem>>
      %dma_start3A_355 = arith.constant 0 : i32
      %dma_start3A_356 = arith.constant 0 : i32
      %dma_start3A_357 = tpu.memref_slice %arg6[%run_scoped3A, %dma_start3A_355, %dma_start3A_356] : memref<2x128x128xf32, #tpu.memory_space<vmem>> -> memref<1x128x128xf32, #tpu.memory_space<vmem>>
      %dma_start3A_358 = tpu.memref_squeeze %dma_start3A_357 : memref<1x128x128xf32, #tpu.memory_space<vmem>> -> memref<128x128xf32, #tpu.memory_space<vmem>>
      %dma_start3A_359 = arith.constant 0 : i32
      %dma_start3A_360 = tpu.memref_slice %arg7[%add3A_90, %dma_start3A_359] : memref<10240x128xf32, #tpu.memory_space<vmem_shared>> -> memref<128x128xf32, #tpu.memory_space<vmem_shared>>
      %dma_start3A_361 = arith.constant 0 : i32
      %dma_start3A_362 = tpu.memref_slice %arg7[%add3A_90, %dma_start3A_361] : memref<10240x128xf32, #tpu.memory_space<vmem_shared>> -> memref<128x128xf32, #tpu.memory_space<vmem_shared>>
      %dma_start3A_363 = arith.constant 0 : i32
      %dma_start3A_364 = arith.constant 0 : i32
      %dma_start3A_365 = tpu.memref_slice %arg6[%run_scoped3A, %dma_start3A_363, %dma_start3A_364] : memref<2x128x128xf32, #tpu.memory_space<vmem>> -> memref<1x128x128xf32, #tpu.memory_space<vmem>>
      %dma_start3A_366 = tpu.memref_squeeze %dma_start3A_365 : memref<1x128x128xf32, #tpu.memory_space<vmem>> -> memref<128x128xf32, #tpu.memory_space<vmem>>
      tpu.enqueue_dma source(%dma_start3A_366 : memref<128x128xf32, #tpu.memory_space<vmem>>) target(%dma_start3A_362 : memref<128x128xf32, #tpu.memory_space<vmem_shared>>) target_semaphore(%run_scoped3A_354 : memref<!tpu.dma_semaphore, #tpu.memory_space<semaphore_mem>>)
      %dma_wait3A_367 = arith.constant 0 : i32
      %dma_wait3A_368 = arith.constant 0 : i32
      %dma_wait3A_369 = tpu.memref_slice %arg6[%run_scoped3A, %dma_wait3A_367, %dma_wait3A_368] : memref<2x128x128xf32, #tpu.memory_space<vmem>> -> memref<1x128x128xf32, #tpu.memory_space<vmem>>
      %dma_wait3A_370 = tpu.memref_squeeze %dma_wait3A_369 : memref<1x128x128xf32, #tpu.memory_space<vmem>> -> memref<128x128xf32, #tpu.memory_space<vmem>>
      %dma_wait3A_371 = arith.constant 0 : i32
      %dma_wait3A_372 = tpu.memref_slice %arg7[%add3A_90, %dma_wait3A_371] : memref<10240x128xf32, #tpu.memory_space<vmem_shared>> -> memref<128x128xf32, #tpu.memory_space<vmem_shared>>
      %dma_wait3A_373 = arith.constant 0 : i32
      %dma_wait3A_374 = tpu.memref_slice %arg7[%add3A_90, %dma_wait3A_373] : memref<10240x128xf32, #tpu.memory_space<vmem_shared>> -> memref<128x128xf32, #tpu.memory_space<vmem_shared>>
      %dma_wait3A_375 = arith.constant 0 : i32
      %dma_wait3A_376 = arith.constant 0 : i32
      %dma_wait3A_377 = tpu.memref_slice %arg6[%run_scoped3A, %dma_wait3A_375, %dma_wait3A_376] : memref<2x128x128xf32, #tpu.memory_space<vmem>> -> memref<1x128x128xf32, #tpu.memory_space<vmem>>
      %dma_wait3A_378 = tpu.memref_squeeze %dma_wait3A_377 : memref<1x128x128xf32, #tpu.memory_space<vmem>> -> memref<128x128xf32, #tpu.memory_space<vmem>>
      tpu.wait_dma2 semaphore(%run_scoped3A_354 : memref<!tpu.dma_semaphore, #tpu.memory_space<semaphore_mem>>) src(%dma_wait3A_378 : memref<128x128xf32, #tpu.memory_space<vmem>>) dst(%dma_wait3A_374 : memref<128x128xf32, #tpu.memory_space<vmem_shared>>)
      tpu.yield
    }) : () -> ()
    %mul3A_91 = arith.constant 640 : i32
    %mul3A_92 = arith.muli %arg1, %mul3A_91 : i32
    %add3A_93 = arith.constant 128 : i32
    %add3A_94 = arith.addi %mul3A_92, %add3A_93 : i32
    %run_scoped3A_95 = arith.constant 0 : i32
    "tpu.region"() ({
      %run_scoped3A_354 = tpu.sem_alloc : memref<!tpu.dma_semaphore, #tpu.memory_space<semaphore_mem>>
      %dma_start3A_355 = arith.constant 0 : i32
      %dma_start3A_356 = arith.constant 0 : i32
      %dma_start3A_357 = tpu.memref_slice %arg6[%run_scoped3A_95, %dma_start3A_355, %dma_start3A_356] : memref<2x128x128xf32, #tpu.memory_space<vmem>> -> memref<1x128x128xf32, #tpu.memory_space<vmem>>
      %dma_start3A_358 = tpu.memref_squeeze %dma_start3A_357 : memref<1x128x128xf32, #tpu.memory_space<vmem>> -> memref<128x128xf32, #tpu.memory_space<vmem>>
      %dma_start3A_359 = arith.constant 0 : i32
      %dma_start3A_360 = tpu.memref_slice %arg7[%add3A_94, %dma_start3A_359] : memref<10240x128xf32, #tpu.memory_space<vmem_shared>> -> memref<128x128xf32, #tpu.memory_space<vmem_shared>>
      %dma_start3A_361 = arith.constant 0 : i32
      %dma_start3A_362 = tpu.memref_slice %arg7[%add3A_94, %dma_start3A_361] : memref<10240x128xf32, #tpu.memory_space<vmem_shared>> -> memref<128x128xf32, #tpu.memory_space<vmem_shared>>
      %dma_start3A_363 = arith.constant 0 : i32
      %dma_start3A_364 = arith.constant 0 : i32
      %dma_start3A_365 = tpu.memref_slice %arg6[%run_scoped3A_95, %dma_start3A_363, %dma_start3A_364] : memref<2x128x128xf32, #tpu.memory_space<vmem>> -> memref<1x128x128xf32, #tpu.memory_space<vmem>>
      %dma_start3A_366 = tpu.memref_squeeze %dma_start3A_365 : memref<1x128x128xf32, #tpu.memory_space<vmem>> -> memref<128x128xf32, #tpu.memory_space<vmem>>
      tpu.enqueue_dma source(%dma_start3A_366 : memref<128x128xf32, #tpu.memory_space<vmem>>) target(%dma_start3A_362 : memref<128x128xf32, #tpu.memory_space<vmem_shared>>) target_semaphore(%run_scoped3A_354 : memref<!tpu.dma_semaphore, #tpu.memory_space<semaphore_mem>>)
      %dma_wait3A_367 = arith.constant 0 : i32
      %dma_wait3A_368 = arith.constant 0 : i32
      %dma_wait3A_369 = tpu.memref_slice %arg6[%run_scoped3A_95, %dma_wait3A_367, %dma_wait3A_368] : memref<2x128x128xf32, #tpu.memory_space<vmem>> -> memref<1x128x128xf32, #tpu.memory_space<vmem>>
      %dma_wait3A_370 = tpu.memref_squeeze %dma_wait3A_369 : memref<1x128x128xf32, #tpu.memory_space<vmem>> -> memref<128x128xf32, #tpu.memory_space<vmem>>
      %dma_wait3A_371 = arith.constant 0 : i32
      %dma_wait3A_372 = tpu.memref_slice %arg7[%add3A_94, %dma_wait3A_371] : memref<10240x128xf32, #tpu.memory_space<vmem_shared>> -> memref<128x128xf32, #tpu.memory_space<vmem_shared>>
      %dma_wait3A_373 = arith.constant 0 : i32
      %dma_wait3A_374 = tpu.memref_slice %arg7[%add3A_94, %dma_wait3A_373] : memref<10240x128xf32, #tpu.memory_space<vmem_shared>> -> memref<128x128xf32, #tpu.memory_space<vmem_shared>>
      %dma_wait3A_375 = arith.constant 0 : i32
      %dma_wait3A_376 = arith.constant 0 : i32
      %dma_wait3A_377 = tpu.memref_slice %arg6[%run_scoped3A_95, %dma_wait3A_375, %dma_wait3A_376] : memref<2x128x128xf32, #tpu.memory_space<vmem>> -> memref<1x128x128xf32, #tpu.memory_space<vmem>>
      %dma_wait3A_378 = tpu.memref_squeeze %dma_wait3A_377 : memref<1x128x128xf32, #tpu.memory_space<vmem>> -> memref<128x128xf32, #tpu.memory_space<vmem>>
      tpu.wait_dma2 semaphore(%run_scoped3A_354 : memref<!tpu.dma_semaphore, #tpu.memory_space<semaphore_mem>>) src(%dma_wait3A_378 : memref<128x128xf32, #tpu.memory_space<vmem>>) dst(%dma_wait3A_374 : memref<128x128xf32, #tpu.memory_space<vmem_shared>>)
      tpu.yield
    }) : () -> ()
    %mul3A_96 = arith.constant 640 : i32
    %mul3A_97 = arith.muli %arg1, %mul3A_96 : i32
    %add3A_98 = arith.constant 256 : i32
    %add3A_99 = arith.addi %mul3A_97, %add3A_98 : i32
    %run_scoped3A_100 = arith.constant 0 : i32
    "tpu.region"() ({
      %run_scoped3A_354 = tpu.sem_alloc : memref<!tpu.dma_semaphore, #tpu.memory_space<semaphore_mem>>
      %dma_start3A_355 = arith.constant 0 : i32
      %dma_start3A_356 = arith.constant 0 : i32
      %dma_start3A_357 = tpu.memref_slice %arg6[%run_scoped3A_100, %dma_start3A_355, %dma_start3A_356] : memref<2x128x128xf32, #tpu.memory_space<vmem>> -> memref<1x128x128xf32, #tpu.memory_space<vmem>>
      %dma_start3A_358 = tpu.memref_squeeze %dma_start3A_357 : memref<1x128x128xf32, #tpu.memory_space<vmem>> -> memref<128x128xf32, #tpu.memory_space<vmem>>
      %dma_start3A_359 = arith.constant 0 : i32
      %dma_start3A_360 = tpu.memref_slice %arg7[%add3A_99, %dma_start3A_359] : memref<10240x128xf32, #tpu.memory_space<vmem_shared>> -> memref<128x128xf32, #tpu.memory_space<vmem_shared>>
      %dma_start3A_361 = arith.constant 0 : i32
      %dma_start3A_362 = tpu.memref_slice %arg7[%add3A_99, %dma_start3A_361] : memref<10240x128xf32, #tpu.memory_space<vmem_shared>> -> memref<128x128xf32, #tpu.memory_space<vmem_shared>>
      %dma_start3A_363 = arith.constant 0 : i32
      %dma_start3A_364 = arith.constant 0 : i32
      %dma_start3A_365 = tpu.memref_slice %arg6[%run_scoped3A_100, %dma_start3A_363, %dma_start3A_364] : memref<2x128x128xf32, #tpu.memory_space<vmem>> -> memref<1x128x128xf32, #tpu.memory_space<vmem>>
      %dma_start3A_366 = tpu.memref_squeeze %dma_start3A_365 : memref<1x128x128xf32, #tpu.memory_space<vmem>> -> memref<128x128xf32, #tpu.memory_space<vmem>>
      tpu.enqueue_dma source(%dma_start3A_366 : memref<128x128xf32, #tpu.memory_space<vmem>>) target(%dma_start3A_362 : memref<128x128xf32, #tpu.memory_space<vmem_shared>>) target_semaphore(%run_scoped3A_354 : memref<!tpu.dma_semaphore, #tpu.memory_space<semaphore_mem>>)
      %dma_wait3A_367 = arith.constant 0 : i32
      %dma_wait3A_368 = arith.constant 0 : i32
      %dma_wait3A_369 = tpu.memref_slice %arg6[%run_scoped3A_100, %dma_wait3A_367, %dma_wait3A_368] : memref<2x128x128xf32, #tpu.memory_space<vmem>> -> memref<1x128x128xf32, #tpu.memory_space<vmem>>
      %dma_wait3A_370 = tpu.memref_squeeze %dma_wait3A_369 : memref<1x128x128xf32, #tpu.memory_space<vmem>> -> memref<128x128xf32, #tpu.memory_space<vmem>>
      %dma_wait3A_371 = arith.constant 0 : i32
      %dma_wait3A_372 = tpu.memref_slice %arg7[%add3A_99, %dma_wait3A_371] : memref<10240x128xf32, #tpu.memory_space<vmem_shared>> -> memref<128x128xf32, #tpu.memory_space<vmem_shared>>
      %dma_wait3A_373 = arith.constant 0 : i32
      %dma_wait3A_374 = tpu.memref_slice %arg7[%add3A_99, %dma_wait3A_373] : memref<10240x128xf32, #tpu.memory_space<vmem_shared>> -> memref<128x128xf32, #tpu.memory_space<vmem_shared>>
      %dma_wait3A_375 = arith.constant 0 : i32
      %dma_wait3A_376 = arith.constant 0 : i32
      %dma_wait3A_377 = tpu.memref_slice %arg6[%run_scoped3A_100, %dma_wait3A_375, %dma_wait3A_376] : memref<2x128x128xf32, #tpu.memory_space<vmem>> -> memref<1x128x128xf32, #tpu.memory_space<vmem>>
      %dma_wait3A_378 = tpu.memref_squeeze %dma_wait3A_377 : memref<1x128x128xf32, #tpu.memory_space<vmem>> -> memref<128x128xf32, #tpu.memory_space<vmem>>
      tpu.wait_dma2 semaphore(%run_scoped3A_354 : memref<!tpu.dma_semaphore, #tpu.memory_space<semaphore_mem>>) src(%dma_wait3A_378 : memref<128x128xf32, #tpu.memory_space<vmem>>) dst(%dma_wait3A_374 : memref<128x128xf32, #tpu.memory_space<vmem_shared>>)
      tpu.yield
    }) : () -> ()
    %mul3A_101 = arith.constant 640 : i32
    %mul3A_102 = arith.muli %arg1, %mul3A_101 : i32
    %add3A_103 = arith.constant 384 : i32
    %add3A_104 = arith.addi %mul3A_102, %add3A_103 : i32
    %run_scoped3A_105 = arith.constant 0 : i32
    "tpu.region"() ({
      %run_scoped3A_354 = tpu.sem_alloc : memref<!tpu.dma_semaphore, #tpu.memory_space<semaphore_mem>>
      %dma_start3A_355 = arith.constant 0 : i32
      %dma_start3A_356 = arith.constant 0 : i32
      %dma_start3A_357 = tpu.memref_slice %arg6[%run_scoped3A_105, %dma_start3A_355, %dma_start3A_356] : memref<2x128x128xf32, #tpu.memory_space<vmem>> -> memref<1x128x128xf32, #tpu.memory_space<vmem>>
      %dma_start3A_358 = tpu.memref_squeeze %dma_start3A_357 : memref<1x128x128xf32, #tpu.memory_space<vmem>> -> memref<128x128xf32, #tpu.memory_space<vmem>>
      %dma_start3A_359 = arith.constant 0 : i32
      %dma_start3A_360 = tpu.memref_slice %arg7[%add3A_104, %dma_start3A_359] : memref<10240x128xf32, #tpu.memory_space<vmem_shared>> -> memref<128x128xf32, #tpu.memory_space<vmem_shared>>
      %dma_start3A_361 = arith.constant 0 : i32
      %dma_start3A_362 = tpu.memref_slice %arg7[%add3A_104, %dma_start3A_361] : memref<10240x128xf32, #tpu.memory_space<vmem_shared>> -> memref<128x128xf32, #tpu.memory_space<vmem_shared>>
      %dma_start3A_363 = arith.constant 0 : i32
      %dma_start3A_364 = arith.constant 0 : i32
      %dma_start3A_365 = tpu.memref_slice %arg6[%run_scoped3A_105, %dma_start3A_363, %dma_start3A_364] : memref<2x128x128xf32, #tpu.memory_space<vmem>> -> memref<1x128x128xf32, #tpu.memory_space<vmem>>
      %dma_start3A_366 = tpu.memref_squeeze %dma_start3A_365 : memref<1x128x128xf32, #tpu.memory_space<vmem>> -> memref<128x128xf32, #tpu.memory_space<vmem>>
      tpu.enqueue_dma source(%dma_start3A_366 : memref<128x128xf32, #tpu.memory_space<vmem>>) target(%dma_start3A_362 : memref<128x128xf32, #tpu.memory_space<vmem_shared>>) target_semaphore(%run_scoped3A_354 : memref<!tpu.dma_semaphore, #tpu.memory_space<semaphore_mem>>)
      %dma_wait3A_367 = arith.constant 0 : i32
      %dma_wait3A_368 = arith.constant 0 : i32
      %dma_wait3A_369 = tpu.memref_slice %arg6[%run_scoped3A_105, %dma_wait3A_367, %dma_wait3A_368] : memref<2x128x128xf32, #tpu.memory_space<vmem>> -> memref<1x128x128xf32, #tpu.memory_space<vmem>>
      %dma_wait3A_370 = tpu.memref_squeeze %dma_wait3A_369 : memref<1x128x128xf32, #tpu.memory_space<vmem>> -> memref<128x128xf32, #tpu.memory_space<vmem>>
      %dma_wait3A_371 = arith.constant 0 : i32
      %dma_wait3A_372 = tpu.memref_slice %arg7[%add3A_104, %dma_wait3A_371] : memref<10240x128xf32, #tpu.memory_space<vmem_shared>> -> memref<128x128xf32, #tpu.memory_space<vmem_shared>>
      %dma_wait3A_373 = arith.constant 0 : i32
      %dma_wait3A_374 = tpu.memref_slice %arg7[%add3A_104, %dma_wait3A_373] : memref<10240x128xf32, #tpu.memory_space<vmem_shared>> -> memref<128x128xf32, #tpu.memory_space<vmem_shared>>
      %dma_wait3A_375 = arith.constant 0 : i32
      %dma_wait3A_376 = arith.constant 0 : i32
      %dma_wait3A_377 = tpu.memref_slice %arg6[%run_scoped3A_105, %dma_wait3A_375, %dma_wait3A_376] : memref<2x128x128xf32, #tpu.memory_space<vmem>> -> memref<1x128x128xf32, #tpu.memory_space<vmem>>
      %dma_wait3A_378 = tpu.memref_squeeze %dma_wait3A_377 : memref<1x128x128xf32, #tpu.memory_space<vmem>> -> memref<128x128xf32, #tpu.memory_space<vmem>>
      tpu.wait_dma2 semaphore(%run_scoped3A_354 : memref<!tpu.dma_semaphore, #tpu.memory_space<semaphore_mem>>) src(%dma_wait3A_378 : memref<128x128xf32, #tpu.memory_space<vmem>>) dst(%dma_wait3A_374 : memref<128x128xf32, #tpu.memory_space<vmem_shared>>)
      tpu.yield
    }) : () -> ()
    %mul3A_106 = arith.constant 640 : i32
    %mul3A_107 = arith.muli %arg1, %mul3A_106 : i32
    %add3A_108 = arith.constant 512 : i32
    %add3A_109 = arith.addi %mul3A_107, %add3A_108 : i32
    %run_scoped3A_110 = arith.constant 0 : i32
    "tpu.region"() ({
      %run_scoped3A_354 = tpu.sem_alloc : memref<!tpu.dma_semaphore, #tpu.memory_space<semaphore_mem>>
      %dma_start3A_355 = arith.constant 0 : i32
      %dma_start3A_356 = arith.constant 0 : i32
      %dma_start3A_357 = tpu.memref_slice %arg6[%run_scoped3A_110, %dma_start3A_355, %dma_start3A_356] : memref<2x128x128xf32, #tpu.memory_space<vmem>> -> memref<1x128x128xf32, #tpu.memory_space<vmem>>
      %dma_start3A_358 = tpu.memref_squeeze %dma_start3A_357 : memref<1x128x128xf32, #tpu.memory_space<vmem>> -> memref<128x128xf32, #tpu.memory_space<vmem>>
      %dma_start3A_359 = arith.constant 0 : i32
      %dma_start3A_360 = tpu.memref_slice %arg7[%add3A_109, %dma_start3A_359] : memref<10240x128xf32, #tpu.memory_space<vmem_shared>> -> memref<128x128xf32, #tpu.memory_space<vmem_shared>>
      %dma_start3A_361 = arith.constant 0 : i32
      %dma_start3A_362 = tpu.memref_slice %arg7[%add3A_109, %dma_start3A_361] : memref<10240x128xf32, #tpu.memory_space<vmem_shared>> -> memref<128x128xf32, #tpu.memory_space<vmem_shared>>
      %dma_start3A_363 = arith.constant 0 : i32
      %dma_start3A_364 = arith.constant 0 : i32
      %dma_start3A_365 = tpu.memref_slice %arg6[%run_scoped3A_110, %dma_start3A_363, %dma_start3A_364] : memref<2x128x128xf32, #tpu.memory_space<vmem>> -> memref<1x128x128xf32, #tpu.memory_space<vmem>>
      %dma_start3A_366 = tpu.memref_squeeze %dma_start3A_365 : memref<1x128x128xf32, #tpu.memory_space<vmem>> -> memref<128x128xf32, #tpu.memory_space<vmem>>
      tpu.enqueue_dma source(%dma_start3A_366 : memref<128x128xf32, #tpu.memory_space<vmem>>) target(%dma_start3A_362 : memref<128x128xf32, #tpu.memory_space<vmem_shared>>) target_semaphore(%run_scoped3A_354 : memref<!tpu.dma_semaphore, #tpu.memory_space<semaphore_mem>>)
      %dma_wait3A_367 = arith.constant 0 : i32
      %dma_wait3A_368 = arith.constant 0 : i32
      %dma_wait3A_369 = tpu.memref_slice %arg6[%run_scoped3A_110, %dma_wait3A_367, %dma_wait3A_368] : memref<2x128x128xf32, #tpu.memory_space<vmem>> -> memref<1x128x128xf32, #tpu.memory_space<vmem>>
      %dma_wait3A_370 = tpu.memref_squeeze %dma_wait3A_369 : memref<1x128x128xf32, #tpu.memory_space<vmem>> -> memref<128x128xf32, #tpu.memory_space<vmem>>
      %dma_wait3A_371 = arith.constant 0 : i32
      %dma_wait3A_372 = tpu.memref_slice %arg7[%add3A_109, %dma_wait3A_371] : memref<10240x128xf32, #tpu.memory_space<vmem_shared>> -> memref<128x128xf32, #tpu.memory_space<vmem_shared>>
      %dma_wait3A_373 = arith.constant 0 : i32
      %dma_wait3A_374 = tpu.memref_slice %arg7[%add3A_109, %dma_wait3A_373] : memref<10240x128xf32, #tpu.memory_space<vmem_shared>> -> memref<128x128xf32, #tpu.memory_space<vmem_shared>>
      %dma_wait3A_375 = arith.constant 0 : i32
      %dma_wait3A_376 = arith.constant 0 : i32
      %dma_wait3A_377 = tpu.memref_slice %arg6[%run_scoped3A_110, %dma_wait3A_375, %dma_wait3A_376] : memref<2x128x128xf32, #tpu.memory_space<vmem>> -> memref<1x128x128xf32, #tpu.memory_space<vmem>>
      %dma_wait3A_378 = tpu.memref_squeeze %dma_wait3A_377 : memref<1x128x128xf32, #tpu.memory_space<vmem>> -> memref<128x128xf32, #tpu.memory_space<vmem>>
      tpu.wait_dma2 semaphore(%run_scoped3A_354 : memref<!tpu.dma_semaphore, #tpu.memory_space<semaphore_mem>>) src(%dma_wait3A_378 : memref<128x128xf32, #tpu.memory_space<vmem>>) dst(%dma_wait3A_374 : memref<128x128xf32, #tpu.memory_space<vmem_shared>>)
      tpu.yield
    }) : () -> ()
    %add3A_111 = arith.constant 0 : i32
    %add3A_112 = arith.addi %select_n3A_6, %add3A_111 : i32
    %dma_wait3A = arith.constant 0 : i32
    %dma_wait3A_113 = arith.constant 0 : i32
    %dma_wait3A_114 = arith.constant 0 : i32
    %dma_wait3A_115 = tpu.memref_slice %arg5[%dma_wait3A, %dma_wait3A_113, %dma_wait3A_114] : memref<4x2x128xi32, #tpu.memory_space<vmem>> -> memref<1x2x128xi32, #tpu.memory_space<vmem>>
    %dma_wait3A_116 = tpu.memref_squeeze %dma_wait3A_115 : memref<1x2x128xi32, #tpu.memory_space<vmem>> -> memref<2x128xi32, #tpu.memory_space<vmem>>
    %dma_wait3A_117 = arith.constant 0 : i32
    %dma_wait3A_118 = arith.constant 0 : i32
    %dma_wait3A_119 = tpu.memref_slice %arg3[%add3A_112, %dma_wait3A_117, %dma_wait3A_118] : memref<2560x2x128xi32, #tpu.memory_space<hbm>> -> memref<1x2x128xi32, #tpu.memory_space<hbm>>
    %dma_wait3A_120 = tpu.memref_squeeze %dma_wait3A_119 : memref<1x2x128xi32, #tpu.memory_space<hbm>> -> memref<2x128xi32, #tpu.memory_space<hbm>>
    %dma_wait3A_121 = arith.constant 0 : i32
    %dma_wait3A_122 = arith.constant 0 : i32
    %dma_wait3A_123 = tpu.memref_slice %arg5[%dma_wait3A, %dma_wait3A_121, %dma_wait3A_122] : memref<4x2x128xi32, #tpu.memory_space<vmem>> -> memref<1x2x128xi32, #tpu.memory_space<vmem>>
    %dma_wait3A_124 = tpu.memref_squeeze %dma_wait3A_123 : memref<1x2x128xi32, #tpu.memory_space<vmem>> -> memref<2x128xi32, #tpu.memory_space<vmem>>
    %dma_wait3A_125 = arith.constant 0 : i32
    %dma_wait3A_126 = arith.constant 0 : i32
    %dma_wait3A_127 = tpu.memref_slice %arg3[%add3A_112, %dma_wait3A_125, %dma_wait3A_126] : memref<2560x2x128xi32, #tpu.memory_space<hbm>> -> memref<1x2x128xi32, #tpu.memory_space<hbm>>
    %dma_wait3A_128 = tpu.memref_squeeze %dma_wait3A_127 : memref<1x2x128xi32, #tpu.memory_space<hbm>> -> memref<2x128xi32, #tpu.memory_space<hbm>>
    tpu.wait_dma2 semaphore(%arg10 : memref<!tpu.dma_semaphore, #tpu.memory_space<semaphore_mem>>) src(%dma_wait3A_128 : memref<2x128xi32, #tpu.memory_space<hbm>>) dst(%dma_wait3A_124 : memref<2x128xi32, #tpu.memory_space<vmem>>)
    %dma_start3A_129 = arith.constant 0 : i32
    %dma_start3A_130 = arith.constant 0 : i32
    %dma_start3A_131 = arith.constant 0 : i32
    %dma_start3A_132 = arith.constant 0 : i32
    %dma_start3A_133 = arith.constant 0 : i32
    %dma_start3A_134 = tpu.memref_slice %arg6[%dma_start3A_131, %dma_start3A_132, %dma_start3A_133] : memref<2x128x128xf32, #tpu.memory_space<vmem>> -> memref<1x128x128xf32, #tpu.memory_space<vmem>>
    %dma_start3A_135 = tpu.memref_squeeze %dma_start3A_134 : memref<1x128x128xf32, #tpu.memory_space<vmem>> -> memref<128x128xf32, #tpu.memory_space<vmem>>
    %dma_start3A_136 = arith.constant 0 : i32
    %dma_start3A_137 = tpu.memref_slice %arg5[%dma_start3A_129, %dma_start3A_130, %dma_start3A_136] : memref<4x2x128xi32, #tpu.memory_space<vmem>> -> memref<1x1x128xi32, #tpu.memory_space<vmem>>
    %dma_start3A_138 = tpu.memref_squeeze %dma_start3A_137 : memref<1x1x128xi32, #tpu.memory_space<vmem>> -> memref<128xi32, #tpu.memory_space<vmem>>
    %dma_start3A_139 = arith.constant 0 : i32
    %dma_start3A_140 = arith.constant 0 : i32
    %dma_start3A_141 = tpu.memref_slice %arg2[%dma_start3A_139, %dma_start3A_140] : memref<10000x128xf32, #tpu.memory_space<hbm>> -> memref<10000x128xf32, #tpu.memory_space<hbm>>
    tpu.enqueue_indirect_dma source(%dma_start3A_141 : memref<10000x128xf32, #tpu.memory_space<hbm>>) target(%dma_start3A_135 : memref<128x128xf32, #tpu.memory_space<vmem>>) offsets(%dma_start3A_138 : memref<128xi32, #tpu.memory_space<vmem>>) semaphore(%arg8 : memref<!tpu.dma_semaphore, #tpu.memory_space<semaphore_mem>>)
    %add3A_142 = arith.constant 1 : i32
    %add3A_143 = arith.addi %select_n3A_6, %add3A_142 : i32
    %dma_wait3A_144 = arith.constant 1 : i32
    %dma_wait3A_145 = arith.constant 0 : i32
    %dma_wait3A_146 = arith.constant 0 : i32
    %dma_wait3A_147 = tpu.memref_slice %arg5[%dma_wait3A_144, %dma_wait3A_145, %dma_wait3A_146] : memref<4x2x128xi32, #tpu.memory_space<vmem>> -> memref<1x2x128xi32, #tpu.memory_space<vmem>>
    %dma_wait3A_148 = tpu.memref_squeeze %dma_wait3A_147 : memref<1x2x128xi32, #tpu.memory_space<vmem>> -> memref<2x128xi32, #tpu.memory_space<vmem>>
    %dma_wait3A_149 = arith.constant 0 : i32
    %dma_wait3A_150 = arith.constant 0 : i32
    %dma_wait3A_151 = tpu.memref_slice %arg3[%add3A_143, %dma_wait3A_149, %dma_wait3A_150] : memref<2560x2x128xi32, #tpu.memory_space<hbm>> -> memref<1x2x128xi32, #tpu.memory_space<hbm>>
    %dma_wait3A_152 = tpu.memref_squeeze %dma_wait3A_151 : memref<1x2x128xi32, #tpu.memory_space<hbm>> -> memref<2x128xi32, #tpu.memory_space<hbm>>
    %dma_wait3A_153 = arith.constant 0 : i32
    %dma_wait3A_154 = arith.constant 0 : i32
    %dma_wait3A_155 = tpu.memref_slice %arg5[%dma_wait3A_144, %dma_wait3A_153, %dma_wait3A_154] : memref<4x2x128xi32, #tpu.memory_space<vmem>> -> memref<1x2x128xi32, #tpu.memory_space<vmem>>
    %dma_wait3A_156 = tpu.memref_squeeze %dma_wait3A_155 : memref<1x2x128xi32, #tpu.memory_space<vmem>> -> memref<2x128xi32, #tpu.memory_space<vmem>>
    %dma_wait3A_157 = arith.constant 0 : i32
    %dma_wait3A_158 = arith.constant 0 : i32
    %dma_wait3A_159 = tpu.memref_slice %arg3[%add3A_143, %dma_wait3A_157, %dma_wait3A_158] : memref<2560x2x128xi32, #tpu.memory_space<hbm>> -> memref<1x2x128xi32, #tpu.memory_space<hbm>>
    %dma_wait3A_160 = tpu.memref_squeeze %dma_wait3A_159 : memref<1x2x128xi32, #tpu.memory_space<hbm>> -> memref<2x128xi32, #tpu.memory_space<hbm>>
    tpu.wait_dma2 semaphore(%arg11 : memref<!tpu.dma_semaphore, #tpu.memory_space<semaphore_mem>>) src(%dma_wait3A_160 : memref<2x128xi32, #tpu.memory_space<hbm>>) dst(%dma_wait3A_156 : memref<2x128xi32, #tpu.memory_space<vmem>>)
    %dma_start3A_161 = arith.constant 1 : i32
    %dma_start3A_162 = arith.constant 0 : i32
    %dma_start3A_163 = arith.constant 1 : i32
    %dma_start3A_164 = arith.constant 0 : i32
    %dma_start3A_165 = arith.constant 0 : i32
    %dma_start3A_166 = tpu.memref_slice %arg6[%dma_start3A_163, %dma_start3A_164, %dma_start3A_165] : memref<2x128x128xf32, #tpu.memory_space<vmem>> -> memref<1x128x128xf32, #tpu.memory_space<vmem>>
    %dma_start3A_167 = tpu.memref_squeeze %dma_start3A_166 : memref<1x128x128xf32, #tpu.memory_space<vmem>> -> memref<128x128xf32, #tpu.memory_space<vmem>>
    %dma_start3A_168 = arith.constant 0 : i32
    %dma_start3A_169 = tpu.memref_slice %arg5[%dma_start3A_161, %dma_start3A_162, %dma_start3A_168] : memref<4x2x128xi32, #tpu.memory_space<vmem>> -> memref<1x1x128xi32, #tpu.memory_space<vmem>>
    %dma_start3A_170 = tpu.memref_squeeze %dma_start3A_169 : memref<1x1x128xi32, #tpu.memory_space<vmem>> -> memref<128xi32, #tpu.memory_space<vmem>>
    %dma_start3A_171 = arith.constant 0 : i32
    %dma_start3A_172 = arith.constant 0 : i32
    %dma_start3A_173 = tpu.memref_slice %arg2[%dma_start3A_171, %dma_start3A_172] : memref<10000x128xf32, #tpu.memory_space<hbm>> -> memref<10000x128xf32, #tpu.memory_space<hbm>>
    tpu.enqueue_indirect_dma source(%dma_start3A_173 : memref<10000x128xf32, #tpu.memory_space<hbm>>) target(%dma_start3A_167 : memref<128x128xf32, #tpu.memory_space<vmem>>) offsets(%dma_start3A_170 : memref<128xi32, #tpu.memory_space<vmem>>) semaphore(%arg9 : memref<!tpu.dma_semaphore, #tpu.memory_space<semaphore_mem>>)
    %barrier3A = arith.constant 0 : index
    tpu.barrier barrier_id(%barrier3A)
    %jit3A_174 = arith.constant 4 : i32
    %div3A = arith.divsi %select_n3A, %jit3A_174 : i32
    %sign3A = arith.constant 0 : i32
    %sign3A_175 = arith.cmpi sgt, %select_n3A, %sign3A : i32
    %sign3A_176 = arith.extui %sign3A_175 : i1 to i32
    %sign3A_177 = arith.constant 0 : i32
    %sign3A_178 = arith.cmpi slt, %select_n3A, %sign3A_177 : i32
    %sign3A_179 = arith.extui %sign3A_178 : i1 to i32
    %sign3A_180 = arith.subi %sign3A_176, %sign3A_179 : i32
    %sign3A_181 = arith.constant 0 : i32
    %sign3A_182 = arith.cmpi sgt, %jit3A_174, %sign3A_181 : i32
    %sign3A_183 = arith.extui %sign3A_182 : i1 to i32
    %sign3A_184 = arith.constant 0 : i32
    %sign3A_185 = arith.cmpi slt, %jit3A_174, %sign3A_184 : i32
    %sign3A_186 = arith.extui %sign3A_185 : i1 to i32
    %sign3A_187 = arith.subi %sign3A_183, %sign3A_186 : i32
    %ne3A = arith.cmpi ne, %sign3A_180, %sign3A_187 : i32
    %rem3A = arith.remsi %select_n3A, %jit3A_174 : i32
    %ne3A_188 = arith.constant 0 : i32
    %ne3A_189 = arith.cmpi ne, %rem3A, %ne3A_188 : i32
    %and3A = arith.andi %ne3A, %ne3A_189 : i1
    %sub3A = arith.constant 1 : i32
    %sub3A_190 = arith.subi %div3A, %sub3A : i32
    %select_n3A_191 = arith.select %and3A, %sub3A_190, %div3A : i32
    %sub3A_192 = arith.constant 1 : i32
    %sub3A_193 = arith.subi %select_n3A_191, %sub3A_192 : i32
    %while3A = arith.constant 0 : i32
    %while3A_194 = arith.constant 0 : i32
    %while3A_195 = arith.subi %sub3A_193, %while3A_194 : i32
    %while3A_196 = arith.addi %while3A_194, %while3A_195 : i32
    %while3A_197 = arith.constant 1 : i32
    %while3A_198 = arith.divsi %while3A_195, %while3A_197 : i32
    %while3A_199 = arith.muli %while3A_198, %while3A_197 : i32
    %while3A_200 = arith.addi %while3A_194, %while3A_199 : i32
    %while3A_201 = arith.constant 1 : i32
    scf.for %while3A_354 = %while3A_194 to %while3A_200 step %while3A_201  : i32 {
      %mul3A_355 = arith.constant 4 : i32
      %mul3A_356 = arith.muli %while3A_354, %mul3A_355 : i32
      %add3A_357 = arith.constant 0 : i32
      %add3A_358 = arith.addi %mul3A_356, %add3A_357 : i32
      %dma_wait3A_359 = arith.constant 0 : i32
      %dma_wait3A_360 = arith.constant 0 : i32
      %dma_wait3A_361 = arith.constant 0 : i32
      %dma_wait3A_362 = arith.constant 0 : i32
      %dma_wait3A_363 = arith.constant 0 : i32
      %dma_wait3A_364 = tpu.memref_slice %arg6[%dma_wait3A_361, %dma_wait3A_362, %dma_wait3A_363] : memref<2x128x128xf32, #tpu.memory_space<vmem>> -> memref<1x128x128xf32, #tpu.memory_space<vmem>>
      %dma_wait3A_365 = tpu.memref_squeeze %dma_wait3A_364 : memref<1x128x128xf32, #tpu.memory_space<vmem>> -> memref<128x128xf32, #tpu.memory_space<vmem>>
      %dma_wait3A_366 = arith.constant 0 : i32
      %dma_wait3A_367 = tpu.memref_slice %arg5[%dma_wait3A_359, %dma_wait3A_360, %dma_wait3A_366] : memref<4x2x128xi32, #tpu.memory_space<vmem>> -> memref<1x1x128xi32, #tpu.memory_space<vmem>>
      %dma_wait3A_368 = tpu.memref_squeeze %dma_wait3A_367 : memref<1x1x128xi32, #tpu.memory_space<vmem>> -> memref<128xi32, #tpu.memory_space<vmem>>
      %dma_wait3A_369 = arith.constant 0 : i32
      %dma_wait3A_370 = arith.constant 0 : i32
      %dma_wait3A_371 = tpu.memref_slice %arg2[%dma_wait3A_369, %dma_wait3A_370] : memref<10000x128xf32, #tpu.memory_space<hbm>> -> memref<10000x128xf32, #tpu.memory_space<hbm>>
      tpu.wait_indirect_dma semaphore(%arg8 : memref<!tpu.dma_semaphore, #tpu.memory_space<semaphore_mem>>) src(%dma_wait3A_371 : memref<10000x128xf32, #tpu.memory_space<hbm>>) dst(%dma_wait3A_365 : memref<128x128xf32, #tpu.memory_space<vmem>>)
      %run_scoped3A_372 = arith.constant 0 : i32
      %run_scoped3A_373 = arith.constant 0 : i32
      %run_scoped3A_374 = arith.constant 1 : i32
      "tpu.region"() ({
        %run_scoped3A_647 = tpu.sem_alloc : memref<!tpu.dma_semaphore, #tpu.memory_space<semaphore_mem>>
        %dma_start3A_648 = arith.constant 0 : i32
        %dma_start3A_649 = arith.constant 0 : i32
        %dma_start3A_650 = tpu.memref_slice %arg6[%run_scoped3A_372, %dma_start3A_648, %dma_start3A_649] : memref<2x128x128xf32, #tpu.memory_space<vmem>> -> memref<1x128x128xf32, #tpu.memory_space<vmem>>
        %dma_start3A_651 = tpu.memref_squeeze %dma_start3A_650 : memref<1x128x128xf32, #tpu.memory_space<vmem>> -> memref<128x128xf32, #tpu.memory_space<vmem>>
        %dma_start3A_652 = arith.constant 0 : i32
        %dma_start3A_653 = tpu.memref_slice %arg5[%run_scoped3A_373, %run_scoped3A_374, %dma_start3A_652] : memref<4x2x128xi32, #tpu.memory_space<vmem>> -> memref<1x1x128xi32, #tpu.memory_space<vmem>>
        %dma_start3A_654 = tpu.memref_squeeze %dma_start3A_653 : memref<1x1x128xi32, #tpu.memory_space<vmem>> -> memref<128xi32, #tpu.memory_space<vmem>>
        %dma_start3A_655 = arith.constant 0 : i32
        %dma_start3A_656 = arith.constant 0 : i32
        %dma_start3A_657 = tpu.memref_slice %arg7[%dma_start3A_655, %dma_start3A_656] : memref<10240x128xf32, #tpu.memory_space<vmem_shared>> -> memref<10240x128xf32, #tpu.memory_space<vmem_shared>>
        tpu.enqueue_indirect_dma source(%dma_start3A_651 : memref<128x128xf32, #tpu.memory_space<vmem>>) target(%dma_start3A_657 : memref<10240x128xf32, #tpu.memory_space<vmem_shared>>) offsets(%dma_start3A_654 : memref<128xi32, #tpu.memory_space<vmem>>) semaphore(%run_scoped3A_647 : memref<!tpu.dma_semaphore, #tpu.memory_space<semaphore_mem>>) {add = true}
        %dma_wait3A_658 = arith.constant 0 : i32
        %dma_wait3A_659 = arith.constant 0 : i32
        %dma_wait3A_660 = tpu.memref_slice %arg6[%run_scoped3A_372, %dma_wait3A_658, %dma_wait3A_659] : memref<2x128x128xf32, #tpu.memory_space<vmem>> -> memref<1x128x128xf32, #tpu.memory_space<vmem>>
        %dma_wait3A_661 = tpu.memref_squeeze %dma_wait3A_660 : memref<1x128x128xf32, #tpu.memory_space<vmem>> -> memref<128x128xf32, #tpu.memory_space<vmem>>
        %dma_wait3A_662 = arith.constant 0 : i32
        %dma_wait3A_663 = tpu.memref_slice %arg5[%run_scoped3A_373, %run_scoped3A_374, %dma_wait3A_662] : memref<4x2x128xi32, #tpu.memory_space<vmem>> -> memref<1x1x128xi32, #tpu.memory_space<vmem>>
        %dma_wait3A_664 = tpu.memref_squeeze %dma_wait3A_663 : memref<1x1x128xi32, #tpu.memory_space<vmem>> -> memref<128xi32, #tpu.memory_space<vmem>>
        %dma_wait3A_665 = arith.constant 0 : i32
        %dma_wait3A_666 = arith.constant 0 : i32
        %dma_wait3A_667 = tpu.memref_slice %arg7[%dma_wait3A_665, %dma_wait3A_666] : memref<10240x128xf32, #tpu.memory_space<vmem_shared>> -> memref<10240x128xf32, #tpu.memory_space<vmem_shared>>
        tpu.wait_indirect_dma semaphore(%run_scoped3A_647 : memref<!tpu.dma_semaphore, #tpu.memory_space<semaphore_mem>>) src(%dma_wait3A_661 : memref<128x128xf32, #tpu.memory_space<vmem>>) dst(%dma_wait3A_667 : memref<10240x128xf32, #tpu.memory_space<vmem_shared>>)
        tpu.yield
      }) : () -> ()
      %add3A_375 = arith.addi %select_n3A_6, %add3A_358 : i32
      %add3A_376 = arith.constant 4 : i32
      %add3A_377 = arith.addi %add3A_375, %add3A_376 : i32
      %dma_start3A_378 = arith.constant 0 : i32
      %dma_start3A_379 = arith.constant 0 : i32
      %dma_start3A_380 = arith.constant 0 : i32
      %dma_start3A_381 = tpu.memref_slice %arg5[%dma_start3A_378, %dma_start3A_379, %dma_start3A_380] : memref<4x2x128xi32, #tpu.memory_space<vmem>> -> memref<1x2x128xi32, #tpu.memory_space<vmem>>
      %dma_start3A_382 = tpu.memref_squeeze %dma_start3A_381 : memref<1x2x128xi32, #tpu.memory_space<vmem>> -> memref<2x128xi32, #tpu.memory_space<vmem>>
      %dma_start3A_383 = arith.constant 0 : i32
      %dma_start3A_384 = arith.constant 0 : i32
      %dma_start3A_385 = tpu.memref_slice %arg3[%add3A_377, %dma_start3A_383, %dma_start3A_384] : memref<2560x2x128xi32, #tpu.memory_space<hbm>> -> memref<1x2x128xi32, #tpu.memory_space<hbm>>
      %dma_start3A_386 = tpu.memref_squeeze %dma_start3A_385 : memref<1x2x128xi32, #tpu.memory_space<hbm>> -> memref<2x128xi32, #tpu.memory_space<hbm>>
      %dma_start3A_387 = arith.constant 0 : i32
      %dma_start3A_388 = arith.constant 0 : i32
      %dma_start3A_389 = tpu.memref_slice %arg5[%dma_start3A_378, %dma_start3A_387, %dma_start3A_388] : memref<4x2x128xi32, #tpu.memory_space<vmem>> -> memref<1x2x128xi32, #tpu.memory_space<vmem>>
      %dma_start3A_390 = tpu.memref_squeeze %dma_start3A_389 : memref<1x2x128xi32, #tpu.memory_space<vmem>> -> memref<2x128xi32, #tpu.memory_space<vmem>>
      %dma_start3A_391 = arith.constant 0 : i32
      %dma_start3A_392 = arith.constant 0 : i32
      %dma_start3A_393 = tpu.memref_slice %arg3[%add3A_377, %dma_start3A_391, %dma_start3A_392] : memref<2560x2x128xi32, #tpu.memory_space<hbm>> -> memref<1x2x128xi32, #tpu.memory_space<hbm>>
      %dma_start3A_394 = tpu.memref_squeeze %dma_start3A_393 : memref<1x2x128xi32, #tpu.memory_space<hbm>> -> memref<2x128xi32, #tpu.memory_space<hbm>>
      tpu.enqueue_dma source(%dma_start3A_394 : memref<2x128xi32, #tpu.memory_space<hbm>>) target(%dma_start3A_390 : memref<2x128xi32, #tpu.memory_space<vmem>>) target_semaphore(%arg10 : memref<!tpu.dma_semaphore, #tpu.memory_space<semaphore_mem>>)
      %add3A_395 = arith.addi %select_n3A_6, %add3A_358 : i32
      %add3A_396 = arith.constant 2 : i32
      %add3A_397 = arith.addi %add3A_395, %add3A_396 : i32
      %dma_wait3A_398 = arith.constant 2 : i32
      %dma_wait3A_399 = arith.constant 0 : i32
      %dma_wait3A_400 = arith.constant 0 : i32
      %dma_wait3A_401 = tpu.memref_slice %arg5[%dma_wait3A_398, %dma_wait3A_399, %dma_wait3A_400] : memref<4x2x128xi32, #tpu.memory_space<vmem>> -> memref<1x2x128xi32, #tpu.memory_space<vmem>>
      %dma_wait3A_402 = tpu.memref_squeeze %dma_wait3A_401 : memref<1x2x128xi32, #tpu.memory_space<vmem>> -> memref<2x128xi32, #tpu.memory_space<vmem>>
      %dma_wait3A_403 = arith.constant 0 : i32
      %dma_wait3A_404 = arith.constant 0 : i32
      %dma_wait3A_405 = tpu.memref_slice %arg3[%add3A_397, %dma_wait3A_403, %dma_wait3A_404] : memref<2560x2x128xi32, #tpu.memory_space<hbm>> -> memref<1x2x128xi32, #tpu.memory_space<hbm>>
      %dma_wait3A_406 = tpu.memref_squeeze %dma_wait3A_405 : memref<1x2x128xi32, #tpu.memory_space<hbm>> -> memref<2x128xi32, #tpu.memory_space<hbm>>
      %dma_wait3A_407 = arith.constant 0 : i32
      %dma_wait3A_408 = arith.constant 0 : i32
      %dma_wait3A_409 = tpu.memref_slice %arg5[%dma_wait3A_398, %dma_wait3A_407, %dma_wait3A_408] : memref<4x2x128xi32, #tpu.memory_space<vmem>> -> memref<1x2x128xi32, #tpu.memory_space<vmem>>
      %dma_wait3A_410 = tpu.memref_squeeze %dma_wait3A_409 : memref<1x2x128xi32, #tpu.memory_space<vmem>> -> memref<2x128xi32, #tpu.memory_space<vmem>>
      %dma_wait3A_411 = arith.constant 0 : i32
      %dma_wait3A_412 = arith.constant 0 : i32
      %dma_wait3A_413 = tpu.memref_slice %arg3[%add3A_397, %dma_wait3A_411, %dma_wait3A_412] : memref<2560x2x128xi32, #tpu.memory_space<hbm>> -> memref<1x2x128xi32, #tpu.memory_space<hbm>>
      %dma_wait3A_414 = tpu.memref_squeeze %dma_wait3A_413 : memref<1x2x128xi32, #tpu.memory_space<hbm>> -> memref<2x128xi32, #tpu.memory_space<hbm>>
      tpu.wait_dma2 semaphore(%arg12 : memref<!tpu.dma_semaphore, #tpu.memory_space<semaphore_mem>>) src(%dma_wait3A_414 : memref<2x128xi32, #tpu.memory_space<hbm>>) dst(%dma_wait3A_410 : memref<2x128xi32, #tpu.memory_space<vmem>>)
      %dma_start3A_415 = arith.constant 2 : i32
      %dma_start3A_416 = arith.constant 0 : i32
      %dma_start3A_417 = arith.constant 0 : i32
      %dma_start3A_418 = arith.constant 0 : i32
      %dma_start3A_419 = arith.constant 0 : i32
      %dma_start3A_420 = tpu.memref_slice %arg6[%dma_start3A_417, %dma_start3A_418, %dma_start3A_419] : memref<2x128x128xf32, #tpu.memory_space<vmem>> -> memref<1x128x128xf32, #tpu.memory_space<vmem>>
      %dma_start3A_421 = tpu.memref_squeeze %dma_start3A_420 : memref<1x128x128xf32, #tpu.memory_space<vmem>> -> memref<128x128xf32, #tpu.memory_space<vmem>>
      %dma_start3A_422 = arith.constant 0 : i32
      %dma_start3A_423 = tpu.memref_slice %arg5[%dma_start3A_415, %dma_start3A_416, %dma_start3A_422] : memref<4x2x128xi32, #tpu.memory_space<vmem>> -> memref<1x1x128xi32, #tpu.memory_space<vmem>>
      %dma_start3A_424 = tpu.memref_squeeze %dma_start3A_423 : memref<1x1x128xi32, #tpu.memory_space<vmem>> -> memref<128xi32, #tpu.memory_space<vmem>>
      %dma_start3A_425 = arith.constant 0 : i32
      %dma_start3A_426 = arith.constant 0 : i32
      %dma_start3A_427 = tpu.memref_slice %arg2[%dma_start3A_425, %dma_start3A_426] : memref<10000x128xf32, #tpu.memory_space<hbm>> -> memref<10000x128xf32, #tpu.memory_space<hbm>>
      tpu.enqueue_indirect_dma source(%dma_start3A_427 : memref<10000x128xf32, #tpu.memory_space<hbm>>) target(%dma_start3A_421 : memref<128x128xf32, #tpu.memory_space<vmem>>) offsets(%dma_start3A_424 : memref<128xi32, #tpu.memory_space<vmem>>) semaphore(%arg8 : memref<!tpu.dma_semaphore, #tpu.memory_space<semaphore_mem>>)
      %mul3A_428 = arith.constant 4 : i32
      %mul3A_429 = arith.muli %while3A_354, %mul3A_428 : i32
      %add3A_430 = arith.constant 1 : i32
      %add3A_431 = arith.addi %mul3A_429, %add3A_430 : i32
      %dma_wait3A_432 = arith.constant 1 : i32
      %dma_wait3A_433 = arith.constant 0 : i32
      %dma_wait3A_434 = arith.constant 1 : i32
      %dma_wait3A_435 = arith.constant 0 : i32
      %dma_wait3A_436 = arith.constant 0 : i32
      %dma_wait3A_437 = tpu.memref_slice %arg6[%dma_wait3A_434, %dma_wait3A_435, %dma_wait3A_436] : memref<2x128x128xf32, #tpu.memory_space<vmem>> -> memref<1x128x128xf32, #tpu.memory_space<vmem>>
      %dma_wait3A_438 = tpu.memref_squeeze %dma_wait3A_437 : memref<1x128x128xf32, #tpu.memory_space<vmem>> -> memref<128x128xf32, #tpu.memory_space<vmem>>
      %dma_wait3A_439 = arith.constant 0 : i32
      %dma_wait3A_440 = tpu.memref_slice %arg5[%dma_wait3A_432, %dma_wait3A_433, %dma_wait3A_439] : memref<4x2x128xi32, #tpu.memory_space<vmem>> -> memref<1x1x128xi32, #tpu.memory_space<vmem>>
      %dma_wait3A_441 = tpu.memref_squeeze %dma_wait3A_440 : memref<1x1x128xi32, #tpu.memory_space<vmem>> -> memref<128xi32, #tpu.memory_space<vmem>>
      %dma_wait3A_442 = arith.constant 0 : i32
      %dma_wait3A_443 = arith.constant 0 : i32
      %dma_wait3A_444 = tpu.memref_slice %arg2[%dma_wait3A_442, %dma_wait3A_443] : memref<10000x128xf32, #tpu.memory_space<hbm>> -> memref<10000x128xf32, #tpu.memory_space<hbm>>
      tpu.wait_indirect_dma semaphore(%arg9 : memref<!tpu.dma_semaphore, #tpu.memory_space<semaphore_mem>>) src(%dma_wait3A_444 : memref<10000x128xf32, #tpu.memory_space<hbm>>) dst(%dma_wait3A_438 : memref<128x128xf32, #tpu.memory_space<vmem>>)
      %run_scoped3A_445 = arith.constant 1 : i32
      %run_scoped3A_446 = arith.constant 1 : i32
      %run_scoped3A_447 = arith.constant 1 : i32
      "tpu.region"() ({
        %run_scoped3A_647 = tpu.sem_alloc : memref<!tpu.dma_semaphore, #tpu.memory_space<semaphore_mem>>
        %dma_start3A_648 = arith.constant 0 : i32
        %dma_start3A_649 = arith.constant 0 : i32
        %dma_start3A_650 = tpu.memref_slice %arg6[%run_scoped3A_445, %dma_start3A_648, %dma_start3A_649] : memref<2x128x128xf32, #tpu.memory_space<vmem>> -> memref<1x128x128xf32, #tpu.memory_space<vmem>>
        %dma_start3A_651 = tpu.memref_squeeze %dma_start3A_650 : memref<1x128x128xf32, #tpu.memory_space<vmem>> -> memref<128x128xf32, #tpu.memory_space<vmem>>
        %dma_start3A_652 = arith.constant 0 : i32
        %dma_start3A_653 = tpu.memref_slice %arg5[%run_scoped3A_446, %run_scoped3A_447, %dma_start3A_652] : memref<4x2x128xi32, #tpu.memory_space<vmem>> -> memref<1x1x128xi32, #tpu.memory_space<vmem>>
        %dma_start3A_654 = tpu.memref_squeeze %dma_start3A_653 : memref<1x1x128xi32, #tpu.memory_space<vmem>> -> memref<128xi32, #tpu.memory_space<vmem>>
        %dma_start3A_655 = arith.constant 0 : i32
        %dma_start3A_656 = arith.constant 0 : i32
        %dma_start3A_657 = tpu.memref_slice %arg7[%dma_start3A_655, %dma_start3A_656] : memref<10240x128xf32, #tpu.memory_space<vmem_shared>> -> memref<10240x128xf32, #tpu.memory_space<vmem_shared>>
        tpu.enqueue_indirect_dma source(%dma_start3A_651 : memref<128x128xf32, #tpu.memory_space<vmem>>) target(%dma_start3A_657 : memref<10240x128xf32, #tpu.memory_space<vmem_shared>>) offsets(%dma_start3A_654 : memref<128xi32, #tpu.memory_space<vmem>>) semaphore(%run_scoped3A_647 : memref<!tpu.dma_semaphore, #tpu.memory_space<semaphore_mem>>) {add = true}
        %dma_wait3A_658 = arith.constant 0 : i32
        %dma_wait3A_659 = arith.constant 0 : i32
        %dma_wait3A_660 = tpu.memref_slice %arg6[%run_scoped3A_445, %dma_wait3A_658, %dma_wait3A_659] : memref<2x128x128xf32, #tpu.memory_space<vmem>> -> memref<1x128x128xf32, #tpu.memory_space<vmem>>
        %dma_wait3A_661 = tpu.memref_squeeze %dma_wait3A_660 : memref<1x128x128xf32, #tpu.memory_space<vmem>> -> memref<128x128xf32, #tpu.memory_space<vmem>>
        %dma_wait3A_662 = arith.constant 0 : i32
        %dma_wait3A_663 = tpu.memref_slice %arg5[%run_scoped3A_446, %run_scoped3A_447, %dma_wait3A_662] : memref<4x2x128xi32, #tpu.memory_space<vmem>> -> memref<1x1x128xi32, #tpu.memory_space<vmem>>
        %dma_wait3A_664 = tpu.memref_squeeze %dma_wait3A_663 : memref<1x1x128xi32, #tpu.memory_space<vmem>> -> memref<128xi32, #tpu.memory_space<vmem>>
        %dma_wait3A_665 = arith.constant 0 : i32
        %dma_wait3A_666 = arith.constant 0 : i32
        %dma_wait3A_667 = tpu.memref_slice %arg7[%dma_wait3A_665, %dma_wait3A_666] : memref<10240x128xf32, #tpu.memory_space<vmem_shared>> -> memref<10240x128xf32, #tpu.memory_space<vmem_shared>>
        tpu.wait_indirect_dma semaphore(%run_scoped3A_647 : memref<!tpu.dma_semaphore, #tpu.memory_space<semaphore_mem>>) src(%dma_wait3A_661 : memref<128x128xf32, #tpu.memory_space<vmem>>) dst(%dma_wait3A_667 : memref<10240x128xf32, #tpu.memory_space<vmem_shared>>)
        tpu.yield
      }) : () -> ()
      %add3A_448 = arith.addi %select_n3A_6, %add3A_431 : i32
      %add3A_449 = arith.constant 4 : i32
      %add3A_450 = arith.addi %add3A_448, %add3A_449 : i32
      %dma_start3A_451 = arith.constant 1 : i32
      %dma_start3A_452 = arith.constant 0 : i32
      %dma_start3A_453 = arith.constant 0 : i32
      %dma_start3A_454 = tpu.memref_slice %arg5[%dma_start3A_451, %dma_start3A_452, %dma_start3A_453] : memref<4x2x128xi32, #tpu.memory_space<vmem>> -> memref<1x2x128xi32, #tpu.memory_space<vmem>>
      %dma_start3A_455 = tpu.memref_squeeze %dma_start3A_454 : memref<1x2x128xi32, #tpu.memory_space<vmem>> -> memref<2x128xi32, #tpu.memory_space<vmem>>
      %dma_start3A_456 = arith.constant 0 : i32
      %dma_start3A_457 = arith.constant 0 : i32
      %dma_start3A_458 = tpu.memref_slice %arg3[%add3A_450, %dma_start3A_456, %dma_start3A_457] : memref<2560x2x128xi32, #tpu.memory_space<hbm>> -> memref<1x2x128xi32, #tpu.memory_space<hbm>>
      %dma_start3A_459 = tpu.memref_squeeze %dma_start3A_458 : memref<1x2x128xi32, #tpu.memory_space<hbm>> -> memref<2x128xi32, #tpu.memory_space<hbm>>
      %dma_start3A_460 = arith.constant 0 : i32
      %dma_start3A_461 = arith.constant 0 : i32
      %dma_start3A_462 = tpu.memref_slice %arg5[%dma_start3A_451, %dma_start3A_460, %dma_start3A_461] : memref<4x2x128xi32, #tpu.memory_space<vmem>> -> memref<1x2x128xi32, #tpu.memory_space<vmem>>
      %dma_start3A_463 = tpu.memref_squeeze %dma_start3A_462 : memref<1x2x128xi32, #tpu.memory_space<vmem>> -> memref<2x128xi32, #tpu.memory_space<vmem>>
      %dma_start3A_464 = arith.constant 0 : i32
      %dma_start3A_465 = arith.constant 0 : i32
      %dma_start3A_466 = tpu.memref_slice %arg3[%add3A_450, %dma_start3A_464, %dma_start3A_465] : memref<2560x2x128xi32, #tpu.memory_space<hbm>> -> memref<1x2x128xi32, #tpu.memory_space<hbm>>
      %dma_start3A_467 = tpu.memref_squeeze %dma_start3A_466 : memref<1x2x128xi32, #tpu.memory_space<hbm>> -> memref<2x128xi32, #tpu.memory_space<hbm>>
      tpu.enqueue_dma source(%dma_start3A_467 : memref<2x128xi32, #tpu.memory_space<hbm>>) target(%dma_start3A_463 : memref<2x128xi32, #tpu.memory_space<vmem>>) target_semaphore(%arg11 : memref<!tpu.dma_semaphore, #tpu.memory_space<semaphore_mem>>)
      %add3A_468 = arith.addi %select_n3A_6, %add3A_431 : i32
      %add3A_469 = arith.constant 2 : i32
      %add3A_470 = arith.addi %add3A_468, %add3A_469 : i32
      %dma_wait3A_471 = arith.constant 3 : i32
      %dma_wait3A_472 = arith.constant 0 : i32
      %dma_wait3A_473 = arith.constant 0 : i32
      %dma_wait3A_474 = tpu.memref_slice %arg5[%dma_wait3A_471, %dma_wait3A_472, %dma_wait3A_473] : memref<4x2x128xi32, #tpu.memory_space<vmem>> -> memref<1x2x128xi32, #tpu.memory_space<vmem>>
      %dma_wait3A_475 = tpu.memref_squeeze %dma_wait3A_474 : memref<1x2x128xi32, #tpu.memory_space<vmem>> -> memref<2x128xi32, #tpu.memory_space<vmem>>
      %dma_wait3A_476 = arith.constant 0 : i32
      %dma_wait3A_477 = arith.constant 0 : i32
      %dma_wait3A_478 = tpu.memref_slice %arg3[%add3A_470, %dma_wait3A_476, %dma_wait3A_477] : memref<2560x2x128xi32, #tpu.memory_space<hbm>> -> memref<1x2x128xi32, #tpu.memory_space<hbm>>
      %dma_wait3A_479 = tpu.memref_squeeze %dma_wait3A_478 : memref<1x2x128xi32, #tpu.memory_space<hbm>> -> memref<2x128xi32, #tpu.memory_space<hbm>>
      %dma_wait3A_480 = arith.constant 0 : i32
      %dma_wait3A_481 = arith.constant 0 : i32
      %dma_wait3A_482 = tpu.memref_slice %arg5[%dma_wait3A_471, %dma_wait3A_480, %dma_wait3A_481] : memref<4x2x128xi32, #tpu.memory_space<vmem>> -> memref<1x2x128xi32, #tpu.memory_space<vmem>>
      %dma_wait3A_483 = tpu.memref_squeeze %dma_wait3A_482 : memref<1x2x128xi32, #tpu.memory_space<vmem>> -> memref<2x128xi32, #tpu.memory_space<vmem>>
      %dma_wait3A_484 = arith.constant 0 : i32
      %dma_wait3A_485 = arith.constant 0 : i32
      %dma_wait3A_486 = tpu.memref_slice %arg3[%add3A_470, %dma_wait3A_484, %dma_wait3A_485] : memref<2560x2x128xi32, #tpu.memory_space<hbm>> -> memref<1x2x128xi32, #tpu.memory_space<hbm>>
      %dma_wait3A_487 = tpu.memref_squeeze %dma_wait3A_486 : memref<1x2x128xi32, #tpu.memory_space<hbm>> -> memref<2x128xi32, #tpu.memory_space<hbm>>
      tpu.wait_dma2 semaphore(%arg13 : memref<!tpu.dma_semaphore, #tpu.memory_space<semaphore_mem>>) src(%dma_wait3A_487 : memref<2x128xi32, #tpu.memory_space<hbm>>) dst(%dma_wait3A_483 : memref<2x128xi32, #tpu.memory_space<vmem>>)
      %dma_start3A_488 = arith.constant 3 : i32
      %dma_start3A_489 = arith.constant 0 : i32
      %dma_start3A_490 = arith.constant 1 : i32
      %dma_start3A_491 = arith.constant 0 : i32
      %dma_start3A_492 = arith.constant 0 : i32
      %dma_start3A_493 = tpu.memref_slice %arg6[%dma_start3A_490, %dma_start3A_491, %dma_start3A_492] : memref<2x128x128xf32, #tpu.memory_space<vmem>> -> memref<1x128x128xf32, #tpu.memory_space<vmem>>
      %dma_start3A_494 = tpu.memref_squeeze %dma_start3A_493 : memref<1x128x128xf32, #tpu.memory_space<vmem>> -> memref<128x128xf32, #tpu.memory_space<vmem>>
      %dma_start3A_495 = arith.constant 0 : i32
      %dma_start3A_496 = tpu.memref_slice %arg5[%dma_start3A_488, %dma_start3A_489, %dma_start3A_495] : memref<4x2x128xi32, #tpu.memory_space<vmem>> -> memref<1x1x128xi32, #tpu.memory_space<vmem>>
      %dma_start3A_497 = tpu.memref_squeeze %dma_start3A_496 : memref<1x1x128xi32, #tpu.memory_space<vmem>> -> memref<128xi32, #tpu.memory_space<vmem>>
      %dma_start3A_498 = arith.constant 0 : i32
      %dma_start3A_499 = arith.constant 0 : i32
      %dma_start3A_500 = tpu.memref_slice %arg2[%dma_start3A_498, %dma_start3A_499] : memref<10000x128xf32, #tpu.memory_space<hbm>> -> memref<10000x128xf32, #tpu.memory_space<hbm>>
      tpu.enqueue_indirect_dma source(%dma_start3A_500 : memref<10000x128xf32, #tpu.memory_space<hbm>>) target(%dma_start3A_494 : memref<128x128xf32, #tpu.memory_space<vmem>>) offsets(%dma_start3A_497 : memref<128xi32, #tpu.memory_space<vmem>>) semaphore(%arg9 : memref<!tpu.dma_semaphore, #tpu.memory_space<semaphore_mem>>)
      %mul3A_501 = arith.constant 4 : i32
      %mul3A_502 = arith.muli %while3A_354, %mul3A_501 : i32
      %add3A_503 = arith.constant 2 : i32
      %add3A_504 = arith.addi %mul3A_502, %add3A_503 : i32
      %dma_wait3A_505 = arith.constant 2 : i32
      %dma_wait3A_506 = arith.constant 0 : i32
      %dma_wait3A_507 = arith.constant 0 : i32
      %dma_wait3A_508 = arith.constant 0 : i32
      %dma_wait3A_509 = arith.constant 0 : i32
      %dma_wait3A_510 = tpu.memref_slice %arg6[%dma_wait3A_507, %dma_wait3A_508, %dma_wait3A_509] : memref<2x128x128xf32, #tpu.memory_space<vmem>> -> memref<1x128x128xf32, #tpu.memory_space<vmem>>
      %dma_wait3A_511 = tpu.memref_squeeze %dma_wait3A_510 : memref<1x128x128xf32, #tpu.memory_space<vmem>> -> memref<128x128xf32, #tpu.memory_space<vmem>>
      %dma_wait3A_512 = arith.constant 0 : i32
      %dma_wait3A_513 = tpu.memref_slice %arg5[%dma_wait3A_505, %dma_wait3A_506, %dma_wait3A_512] : memref<4x2x128xi32, #tpu.memory_space<vmem>> -> memref<1x1x128xi32, #tpu.memory_space<vmem>>
      %dma_wait3A_514 = tpu.memref_squeeze %dma_wait3A_513 : memref<1x1x128xi32, #tpu.memory_space<vmem>> -> memref<128xi32, #tpu.memory_space<vmem>>
      %dma_wait3A_515 = arith.constant 0 : i32
      %dma_wait3A_516 = arith.constant 0 : i32
      %dma_wait3A_517 = tpu.memref_slice %arg2[%dma_wait3A_515, %dma_wait3A_516] : memref<10000x128xf32, #tpu.memory_space<hbm>> -> memref<10000x128xf32, #tpu.memory_space<hbm>>
      tpu.wait_indirect_dma semaphore(%arg8 : memref<!tpu.dma_semaphore, #tpu.memory_space<semaphore_mem>>) src(%dma_wait3A_517 : memref<10000x128xf32, #tpu.memory_space<hbm>>) dst(%dma_wait3A_511 : memref<128x128xf32, #tpu.memory_space<vmem>>)
      %run_scoped3A_518 = arith.constant 0 : i32
      %run_scoped3A_519 = arith.constant 2 : i32
      %run_scoped3A_520 = arith.constant 1 : i32
      "tpu.region"() ({
        %run_scoped3A_647 = tpu.sem_alloc : memref<!tpu.dma_semaphore, #tpu.memory_space<semaphore_mem>>
        %dma_start3A_648 = arith.constant 0 : i32
        %dma_start3A_649 = arith.constant 0 : i32
        %dma_start3A_650 = tpu.memref_slice %arg6[%run_scoped3A_518, %dma_start3A_648, %dma_start3A_649] : memref<2x128x128xf32, #tpu.memory_space<vmem>> -> memref<1x128x128xf32, #tpu.memory_space<vmem>>
        %dma_start3A_651 = tpu.memref_squeeze %dma_start3A_650 : memref<1x128x128xf32, #tpu.memory_space<vmem>> -> memref<128x128xf32, #tpu.memory_space<vmem>>
        %dma_start3A_652 = arith.constant 0 : i32
        %dma_start3A_653 = tpu.memref_slice %arg5[%run_scoped3A_519, %run_scoped3A_520, %dma_start3A_652] : memref<4x2x128xi32, #tpu.memory_space<vmem>> -> memref<1x1x128xi32, #tpu.memory_space<vmem>>
        %dma_start3A_654 = tpu.memref_squeeze %dma_start3A_653 : memref<1x1x128xi32, #tpu.memory_space<vmem>> -> memref<128xi32, #tpu.memory_space<vmem>>
        %dma_start3A_655 = arith.constant 0 : i32
        %dma_start3A_656 = arith.constant 0 : i32
        %dma_start3A_657 = tpu.memref_slice %arg7[%dma_start3A_655, %dma_start3A_656] : memref<10240x128xf32, #tpu.memory_space<vmem_shared>> -> memref<10240x128xf32, #tpu.memory_space<vmem_shared>>
        tpu.enqueue_indirect_dma source(%dma_start3A_651 : memref<128x128xf32, #tpu.memory_space<vmem>>) target(%dma_start3A_657 : memref<10240x128xf32, #tpu.memory_space<vmem_shared>>) offsets(%dma_start3A_654 : memref<128xi32, #tpu.memory_space<vmem>>) semaphore(%run_scoped3A_647 : memref<!tpu.dma_semaphore, #tpu.memory_space<semaphore_mem>>) {add = true}
        %dma_wait3A_658 = arith.constant 0 : i32
        %dma_wait3A_659 = arith.constant 0 : i32
        %dma_wait3A_660 = tpu.memref_slice %arg6[%run_scoped3A_518, %dma_wait3A_658, %dma_wait3A_659] : memref<2x128x128xf32, #tpu.memory_space<vmem>> -> memref<1x128x128xf32, #tpu.memory_space<vmem>>
        %dma_wait3A_661 = tpu.memref_squeeze %dma_wait3A_660 : memref<1x128x128xf32, #tpu.memory_space<vmem>> -> memref<128x128xf32, #tpu.memory_space<vmem>>
        %dma_wait3A_662 = arith.constant 0 : i32
        %dma_wait3A_663 = tpu.memref_slice %arg5[%run_scoped3A_519, %run_scoped3A_520, %dma_wait3A_662] : memref<4x2x128xi32, #tpu.memory_space<vmem>> -> memref<1x1x128xi32, #tpu.memory_space<vmem>>
        %dma_wait3A_664 = tpu.memref_squeeze %dma_wait3A_663 : memref<1x1x128xi32, #tpu.memory_space<vmem>> -> memref<128xi32, #tpu.memory_space<vmem>>
        %dma_wait3A_665 = arith.constant 0 : i32
        %dma_wait3A_666 = arith.constant 0 : i32
        %dma_wait3A_667 = tpu.memref_slice %arg7[%dma_wait3A_665, %dma_wait3A_666] : memref<10240x128xf32, #tpu.memory_space<vmem_shared>> -> memref<10240x128xf32, #tpu.memory_space<vmem_shared>>
        tpu.wait_indirect_dma semaphore(%run_scoped3A_647 : memref<!tpu.dma_semaphore, #tpu.memory_space<semaphore_mem>>) src(%dma_wait3A_661 : memref<128x128xf32, #tpu.memory_space<vmem>>) dst(%dma_wait3A_667 : memref<10240x128xf32, #tpu.memory_space<vmem_shared>>)
        tpu.yield
      }) : () -> ()
      %add3A_521 = arith.addi %select_n3A_6, %add3A_504 : i32
      %add3A_522 = arith.constant 4 : i32
      %add3A_523 = arith.addi %add3A_521, %add3A_522 : i32
      %dma_start3A_524 = arith.constant 2 : i32
      %dma_start3A_525 = arith.constant 0 : i32
      %dma_start3A_526 = arith.constant 0 : i32
      %dma_start3A_527 = tpu.memref_slice %arg5[%dma_start3A_524, %dma_start3A_525, %dma_start3A_526] : memref<4x2x128xi32, #tpu.memory_space<vmem>> -> memref<1x2x128xi32, #tpu.memory_space<vmem>>
      %dma_start3A_528 = tpu.memref_squeeze %dma_start3A_527 : memref<1x2x128xi32, #tpu.memory_space<vmem>> -> memref<2x128xi32, #tpu.memory_space<vmem>>
      %dma_start3A_529 = arith.constant 0 : i32
      %dma_start3A_530 = arith.constant 0 : i32
      %dma_start3A_531 = tpu.memref_slice %arg3[%add3A_523, %dma_start3A_529, %dma_start3A_530] : memref<2560x2x128xi32, #tpu.memory_space<hbm>> -> memref<1x2x128xi32, #tpu.memory_space<hbm>>
      %dma_start3A_532 = tpu.memref_squeeze %dma_start3A_531 : memref<1x2x128xi32, #tpu.memory_space<hbm>> -> memref<2x128xi32, #tpu.memory_space<hbm>>
      %dma_start3A_533 = arith.constant 0 : i32
      %dma_start3A_534 = arith.constant 0 : i32
      %dma_start3A_535 = tpu.memref_slice %arg5[%dma_start3A_524, %dma_start3A_533, %dma_start3A_534] : memref<4x2x128xi32, #tpu.memory_space<vmem>> -> memref<1x2x128xi32, #tpu.memory_space<vmem>>
      %dma_start3A_536 = tpu.memref_squeeze %dma_start3A_535 : memref<1x2x128xi32, #tpu.memory_space<vmem>> -> memref<2x128xi32, #tpu.memory_space<vmem>>
      %dma_start3A_537 = arith.constant 0 : i32
      %dma_start3A_538 = arith.constant 0 : i32
      %dma_start3A_539 = tpu.memref_slice %arg3[%add3A_523, %dma_start3A_537, %dma_start3A_538] : memref<2560x2x128xi32, #tpu.memory_space<hbm>> -> memref<1x2x128xi32, #tpu.memory_space<hbm>>
      %dma_start3A_540 = tpu.memref_squeeze %dma_start3A_539 : memref<1x2x128xi32, #tpu.memory_space<hbm>> -> memref<2x128xi32, #tpu.memory_space<hbm>>
      tpu.enqueue_dma source(%dma_start3A_540 : memref<2x128xi32, #tpu.memory_space<hbm>>) target(%dma_start3A_536 : memref<2x128xi32, #tpu.memory_space<vmem>>) target_semaphore(%arg12 : memref<!tpu.dma_semaphore, #tpu.memory_space<semaphore_mem>>)
      %add3A_541 = arith.addi %select_n3A_6, %add3A_504 : i32
      %add3A_542 = arith.constant 2 : i32
      %add3A_543 = arith.addi %add3A_541, %add3A_542 : i32
      %dma_wait3A_544 = arith.constant 0 : i32
      %dma_wait3A_545 = arith.constant 0 : i32
      %dma_wait3A_546 = arith.constant 0 : i32
      %dma_wait3A_547 = tpu.memref_slice %arg5[%dma_wait3A_544, %dma_wait3A_545, %dma_wait3A_546] : memref<4x2x128xi32, #tpu.memory_space<vmem>> -> memref<1x2x128xi32, #tpu.memory_space<vmem>>
      %dma_wait3A_548 = tpu.memref_squeeze %dma_wait3A_547 : memref<1x2x128xi32, #tpu.memory_space<vmem>> -> memref<2x128xi32, #tpu.memory_space<vmem>>
      %dma_wait3A_549 = arith.constant 0 : i32
      %dma_wait3A_550 = arith.constant 0 : i32
      %dma_wait3A_551 = tpu.memref_slice %arg3[%add3A_543, %dma_wait3A_549, %dma_wait3A_550] : memref<2560x2x128xi32, #tpu.memory_space<hbm>> -> memref<1x2x128xi32, #tpu.memory_space<hbm>>
      %dma_wait3A_552 = tpu.memref_squeeze %dma_wait3A_551 : memref<1x2x128xi32, #tpu.memory_space<hbm>> -> memref<2x128xi32, #tpu.memory_space<hbm>>
      %dma_wait3A_553 = arith.constant 0 : i32
      %dma_wait3A_554 = arith.constant 0 : i32
      %dma_wait3A_555 = tpu.memref_slice %arg5[%dma_wait3A_544, %dma_wait3A_553, %dma_wait3A_554] : memref<4x2x128xi32, #tpu.memory_space<vmem>> -> memref<1x2x128xi32, #tpu.memory_space<vmem>>
      %dma_wait3A_556 = tpu.memref_squeeze %dma_wait3A_555 : memref<1x2x128xi32, #tpu.memory_space<vmem>> -> memref<2x128xi32, #tpu.memory_space<vmem>>
      %dma_wait3A_557 = arith.constant 0 : i32
      %dma_wait3A_558 = arith.constant 0 : i32
      %dma_wait3A_559 = tpu.memref_slice %arg3[%add3A_543, %dma_wait3A_557, %dma_wait3A_558] : memref<2560x2x128xi32, #tpu.memory_space<hbm>> -> memref<1x2x128xi32, #tpu.memory_space<hbm>>
      %dma_wait3A_560 = tpu.memref_squeeze %dma_wait3A_559 : memref<1x2x128xi32, #tpu.memory_space<hbm>> -> memref<2x128xi32, #tpu.memory_space<hbm>>
      tpu.wait_dma2 semaphore(%arg10 : memref<!tpu.dma_semaphore, #tpu.memory_space<semaphore_mem>>) src(%dma_wait3A_560 : memref<2x128xi32, #tpu.memory_space<hbm>>) dst(%dma_wait3A_556 : memref<2x128xi32, #tpu.memory_space<vmem>>)
      %dma_start3A_561 = arith.constant 0 : i32
      %dma_start3A_562 = arith.constant 0 : i32
      %dma_start3A_563 = arith.constant 0 : i32
      %dma_start3A_564 = arith.constant 0 : i32
      %dma_start3A_565 = arith.constant 0 : i32
      %dma_start3A_566 = tpu.memref_slice %arg6[%dma_start3A_563, %dma_start3A_564, %dma_start3A_565] : memref<2x128x128xf32, #tpu.memory_space<vmem>> -> memref<1x128x128xf32, #tpu.memory_space<vmem>>
      %dma_start3A_567 = tpu.memref_squeeze %dma_start3A_566 : memref<1x128x128xf32, #tpu.memory_space<vmem>> -> memref<128x128xf32, #tpu.memory_space<vmem>>
      %dma_start3A_568 = arith.constant 0 : i32
      %dma_start3A_569 = tpu.memref_slice %arg5[%dma_start3A_561, %dma_start3A_562, %dma_start3A_568] : memref<4x2x128xi32, #tpu.memory_space<vmem>> -> memref<1x1x128xi32, #tpu.memory_space<vmem>>
      %dma_start3A_570 = tpu.memref_squeeze %dma_start3A_569 : memref<1x1x128xi32, #tpu.memory_space<vmem>> -> memref<128xi32, #tpu.memory_space<vmem>>
      %dma_start3A_571 = arith.constant 0 : i32
      %dma_start3A_572 = arith.constant 0 : i32
      %dma_start3A_573 = tpu.memref_slice %arg2[%dma_start3A_571, %dma_start3A_572] : memref<10000x128xf32, #tpu.memory_space<hbm>> -> memref<10000x128xf32, #tpu.memory_space<hbm>>
      tpu.enqueue_indirect_dma source(%dma_start3A_573 : memref<10000x128xf32, #tpu.memory_space<hbm>>) target(%dma_start3A_567 : memref<128x128xf32, #tpu.memory_space<vmem>>) offsets(%dma_start3A_570 : memref<128xi32, #tpu.memory_space<vmem>>) semaphore(%arg8 : memref<!tpu.dma_semaphore, #tpu.memory_space<semaphore_mem>>)
      %mul3A_574 = arith.constant 4 : i32
      %mul3A_575 = arith.muli %while3A_354, %mul3A_574 : i32
      %add3A_576 = arith.constant 3 : i32
      %add3A_577 = arith.addi %mul3A_575, %add3A_576 : i32
      %dma_wait3A_578 = arith.constant 3 : i32
      %dma_wait3A_579 = arith.constant 0 : i32
      %dma_wait3A_580 = arith.constant 1 : i32
      %dma_wait3A_581 = arith.constant 0 : i32
      %dma_wait3A_582 = arith.constant 0 : i32
      %dma_wait3A_583 = tpu.memref_slice %arg6[%dma_wait3A_580, %dma_wait3A_581, %dma_wait3A_582] : memref<2x128x128xf32, #tpu.memory_space<vmem>> -> memref<1x128x128xf32, #tpu.memory_space<vmem>>
      %dma_wait3A_584 = tpu.memref_squeeze %dma_wait3A_583 : memref<1x128x128xf32, #tpu.memory_space<vmem>> -> memref<128x128xf32, #tpu.memory_space<vmem>>
      %dma_wait3A_585 = arith.constant 0 : i32
      %dma_wait3A_586 = tpu.memref_slice %arg5[%dma_wait3A_578, %dma_wait3A_579, %dma_wait3A_585] : memref<4x2x128xi32, #tpu.memory_space<vmem>> -> memref<1x1x128xi32, #tpu.memory_space<vmem>>
      %dma_wait3A_587 = tpu.memref_squeeze %dma_wait3A_586 : memref<1x1x128xi32, #tpu.memory_space<vmem>> -> memref<128xi32, #tpu.memory_space<vmem>>
      %dma_wait3A_588 = arith.constant 0 : i32
      %dma_wait3A_589 = arith.constant 0 : i32
      %dma_wait3A_590 = tpu.memref_slice %arg2[%dma_wait3A_588, %dma_wait3A_589] : memref<10000x128xf32, #tpu.memory_space<hbm>> -> memref<10000x128xf32, #tpu.memory_space<hbm>>
      tpu.wait_indirect_dma semaphore(%arg9 : memref<!tpu.dma_semaphore, #tpu.memory_space<semaphore_mem>>) src(%dma_wait3A_590 : memref<10000x128xf32, #tpu.memory_space<hbm>>) dst(%dma_wait3A_584 : memref<128x128xf32, #tpu.memory_space<vmem>>)
      %run_scoped3A_591 = arith.constant 1 : i32
      %run_scoped3A_592 = arith.constant 3 : i32
      %run_scoped3A_593 = arith.constant 1 : i32
      "tpu.region"() ({
        %run_scoped3A_647 = tpu.sem_alloc : memref<!tpu.dma_semaphore, #tpu.memory_space<semaphore_mem>>
        %dma_start3A_648 = arith.constant 0 : i32
        %dma_start3A_649 = arith.constant 0 : i32
        %dma_start3A_650 = tpu.memref_slice %arg6[%run_scoped3A_591, %dma_start3A_648, %dma_start3A_649] : memref<2x128x128xf32, #tpu.memory_space<vmem>> -> memref<1x128x128xf32, #tpu.memory_space<vmem>>
        %dma_start3A_651 = tpu.memref_squeeze %dma_start3A_650 : memref<1x128x128xf32, #tpu.memory_space<vmem>> -> memref<128x128xf32, #tpu.memory_space<vmem>>
        %dma_start3A_652 = arith.constant 0 : i32
        %dma_start3A_653 = tpu.memref_slice %arg5[%run_scoped3A_592, %run_scoped3A_593, %dma_start3A_652] : memref<4x2x128xi32, #tpu.memory_space<vmem>> -> memref<1x1x128xi32, #tpu.memory_space<vmem>>
        %dma_start3A_654 = tpu.memref_squeeze %dma_start3A_653 : memref<1x1x128xi32, #tpu.memory_space<vmem>> -> memref<128xi32, #tpu.memory_space<vmem>>
        %dma_start3A_655 = arith.constant 0 : i32
        %dma_start3A_656 = arith.constant 0 : i32
        %dma_start3A_657 = tpu.memref_slice %arg7[%dma_start3A_655, %dma_start3A_656] : memref<10240x128xf32, #tpu.memory_space<vmem_shared>> -> memref<10240x128xf32, #tpu.memory_space<vmem_shared>>
        tpu.enqueue_indirect_dma source(%dma_start3A_651 : memref<128x128xf32, #tpu.memory_space<vmem>>) target(%dma_start3A_657 : memref<10240x128xf32, #tpu.memory_space<vmem_shared>>) offsets(%dma_start3A_654 : memref<128xi32, #tpu.memory_space<vmem>>) semaphore(%run_scoped3A_647 : memref<!tpu.dma_semaphore, #tpu.memory_space<semaphore_mem>>) {add = true}
        %dma_wait3A_658 = arith.constant 0 : i32
        %dma_wait3A_659 = arith.constant 0 : i32
        %dma_wait3A_660 = tpu.memref_slice %arg6[%run_scoped3A_591, %dma_wait3A_658, %dma_wait3A_659] : memref<2x128x128xf32, #tpu.memory_space<vmem>> -> memref<1x128x128xf32, #tpu.memory_space<vmem>>
        %dma_wait3A_661 = tpu.memref_squeeze %dma_wait3A_660 : memref<1x128x128xf32, #tpu.memory_space<vmem>> -> memref<128x128xf32, #tpu.memory_space<vmem>>
        %dma_wait3A_662 = arith.constant 0 : i32
        %dma_wait3A_663 = tpu.memref_slice %arg5[%run_scoped3A_592, %run_scoped3A_593, %dma_wait3A_662] : memref<4x2x128xi32, #tpu.memory_space<vmem>> -> memref<1x1x128xi32, #tpu.memory_space<vmem>>
        %dma_wait3A_664 = tpu.memref_squeeze %dma_wait3A_663 : memref<1x1x128xi32, #tpu.memory_space<vmem>> -> memref<128xi32, #tpu.memory_space<vmem>>
        %dma_wait3A_665 = arith.constant 0 : i32
        %dma_wait3A_666 = arith.constant 0 : i32
        %dma_wait3A_667 = tpu.memref_slice %arg7[%dma_wait3A_665, %dma_wait3A_666] : memref<10240x128xf32, #tpu.memory_space<vmem_shared>> -> memref<10240x128xf32, #tpu.memory_space<vmem_shared>>
        tpu.wait_indirect_dma semaphore(%run_scoped3A_647 : memref<!tpu.dma_semaphore, #tpu.memory_space<semaphore_mem>>) src(%dma_wait3A_661 : memref<128x128xf32, #tpu.memory_space<vmem>>) dst(%dma_wait3A_667 : memref<10240x128xf32, #tpu.memory_space<vmem_shared>>)
        tpu.yield
      }) : () -> ()
      %add3A_594 = arith.addi %select_n3A_6, %add3A_577 : i32
      %add3A_595 = arith.constant 4 : i32
      %add3A_596 = arith.addi %add3A_594, %add3A_595 : i32
      %dma_start3A_597 = arith.constant 3 : i32
      %dma_start3A_598 = arith.constant 0 : i32
      %dma_start3A_599 = arith.constant 0 : i32
      %dma_start3A_600 = tpu.memref_slice %arg5[%dma_start3A_597, %dma_start3A_598, %dma_start3A_599] : memref<4x2x128xi32, #tpu.memory_space<vmem>> -> memref<1x2x128xi32, #tpu.memory_space<vmem>>
      %dma_start3A_601 = tpu.memref_squeeze %dma_start3A_600 : memref<1x2x128xi32, #tpu.memory_space<vmem>> -> memref<2x128xi32, #tpu.memory_space<vmem>>
      %dma_start3A_602 = arith.constant 0 : i32
      %dma_start3A_603 = arith.constant 0 : i32
      %dma_start3A_604 = tpu.memref_slice %arg3[%add3A_596, %dma_start3A_602, %dma_start3A_603] : memref<2560x2x128xi32, #tpu.memory_space<hbm>> -> memref<1x2x128xi32, #tpu.memory_space<hbm>>
      %dma_start3A_605 = tpu.memref_squeeze %dma_start3A_604 : memref<1x2x128xi32, #tpu.memory_space<hbm>> -> memref<2x128xi32, #tpu.memory_space<hbm>>
      %dma_start3A_606 = arith.constant 0 : i32
      %dma_start3A_607 = arith.constant 0 : i32
      %dma_start3A_608 = tpu.memref_slice %arg5[%dma_start3A_597, %dma_start3A_606, %dma_start3A_607] : memref<4x2x128xi32, #tpu.memory_space<vmem>> -> memref<1x2x128xi32, #tpu.memory_space<vmem>>
      %dma_start3A_609 = tpu.memref_squeeze %dma_start3A_608 : memref<1x2x128xi32, #tpu.memory_space<vmem>> -> memref<2x128xi32, #tpu.memory_space<vmem>>
      %dma_start3A_610 = arith.constant 0 : i32
      %dma_start3A_611 = arith.constant 0 : i32
      %dma_start3A_612 = tpu.memref_slice %arg3[%add3A_596, %dma_start3A_610, %dma_start3A_611] : memref<2560x2x128xi32, #tpu.memory_space<hbm>> -> memref<1x2x128xi32, #tpu.memory_space<hbm>>
      %dma_start3A_613 = tpu.memref_squeeze %dma_start3A_612 : memref<1x2x128xi32, #tpu.memory_space<hbm>> -> memref<2x128xi32, #tpu.memory_space<hbm>>
      tpu.enqueue_dma source(%dma_start3A_613 : memref<2x128xi32, #tpu.memory_space<hbm>>) target(%dma_start3A_609 : memref<2x128xi32, #tpu.memory_space<vmem>>) target_semaphore(%arg13 : memref<!tpu.dma_semaphore, #tpu.memory_space<semaphore_mem>>)
      %add3A_614 = arith.addi %select_n3A_6, %add3A_577 : i32
      %add3A_615 = arith.constant 2 : i32
      %add3A_616 = arith.addi %add3A_614, %add3A_615 : i32
      %dma_wait3A_617 = arith.constant 1 : i32
      %dma_wait3A_618 = arith.constant 0 : i32
      %dma_wait3A_619 = arith.constant 0 : i32
      %dma_wait3A_620 = tpu.memref_slice %arg5[%dma_wait3A_617, %dma_wait3A_618, %dma_wait3A_619] : memref<4x2x128xi32, #tpu.memory_space<vmem>> -> memref<1x2x128xi32, #tpu.memory_space<vmem>>
      %dma_wait3A_621 = tpu.memref_squeeze %dma_wait3A_620 : memref<1x2x128xi32, #tpu.memory_space<vmem>> -> memref<2x128xi32, #tpu.memory_space<vmem>>
      %dma_wait3A_622 = arith.constant 0 : i32
      %dma_wait3A_623 = arith.constant 0 : i32
      %dma_wait3A_624 = tpu.memref_slice %arg3[%add3A_616, %dma_wait3A_622, %dma_wait3A_623] : memref<2560x2x128xi32, #tpu.memory_space<hbm>> -> memref<1x2x128xi32, #tpu.memory_space<hbm>>
      %dma_wait3A_625 = tpu.memref_squeeze %dma_wait3A_624 : memref<1x2x128xi32, #tpu.memory_space<hbm>> -> memref<2x128xi32, #tpu.memory_space<hbm>>
      %dma_wait3A_626 = arith.constant 0 : i32
      %dma_wait3A_627 = arith.constant 0 : i32
      %dma_wait3A_628 = tpu.memref_slice %arg5[%dma_wait3A_617, %dma_wait3A_626, %dma_wait3A_627] : memref<4x2x128xi32, #tpu.memory_space<vmem>> -> memref<1x2x128xi32, #tpu.memory_space<vmem>>
      %dma_wait3A_629 = tpu.memref_squeeze %dma_wait3A_628 : memref<1x2x128xi32, #tpu.memory_space<vmem>> -> memref<2x128xi32, #tpu.memory_space<vmem>>
      %dma_wait3A_630 = arith.constant 0 : i32
      %dma_wait3A_631 = arith.constant 0 : i32
      %dma_wait3A_632 = tpu.memref_slice %arg3[%add3A_616, %dma_wait3A_630, %dma_wait3A_631] : memref<2560x2x128xi32, #tpu.memory_space<hbm>> -> memref<1x2x128xi32, #tpu.memory_space<hbm>>
      %dma_wait3A_633 = tpu.memref_squeeze %dma_wait3A_632 : memref<1x2x128xi32, #tpu.memory_space<hbm>> -> memref<2x128xi32, #tpu.memory_space<hbm>>
      tpu.wait_dma2 semaphore(%arg11 : memref<!tpu.dma_semaphore, #tpu.memory_space<semaphore_mem>>) src(%dma_wait3A_633 : memref<2x128xi32, #tpu.memory_space<hbm>>) dst(%dma_wait3A_629 : memref<2x128xi32, #tpu.memory_space<vmem>>)
      %dma_start3A_634 = arith.constant 1 : i32
      %dma_start3A_635 = arith.constant 0 : i32
      %dma_start3A_636 = arith.constant 1 : i32
      %dma_start3A_637 = arith.constant 0 : i32
      %dma_start3A_638 = arith.constant 0 : i32
      %dma_start3A_639 = tpu.memref_slice %arg6[%dma_start3A_636, %dma_start3A_637, %dma_start3A_638] : memref<2x128x128xf32, #tpu.memory_space<vmem>> -> memref<1x128x128xf32, #tpu.memory_space<vmem>>
      %dma_start3A_640 = tpu.memref_squeeze %dma_start3A_639 : memref<1x128x128xf32, #tpu.memory_space<vmem>> -> memref<128x128xf32, #tpu.memory_space<vmem>>
      %dma_start3A_641 = arith.constant 0 : i32
      %dma_start3A_642 = tpu.memref_slice %arg5[%dma_start3A_634, %dma_start3A_635, %dma_start3A_641] : memref<4x2x128xi32, #tpu.memory_space<vmem>> -> memref<1x1x128xi32, #tpu.memory_space<vmem>>
      %dma_start3A_643 = tpu.memref_squeeze %dma_start3A_642 : memref<1x1x128xi32, #tpu.memory_space<vmem>> -> memref<128xi32, #tpu.memory_space<vmem>>
      %dma_start3A_644 = arith.constant 0 : i32
      %dma_start3A_645 = arith.constant 0 : i32
      %dma_start3A_646 = tpu.memref_slice %arg2[%dma_start3A_644, %dma_start3A_645] : memref<10000x128xf32, #tpu.memory_space<hbm>> -> memref<10000x128xf32, #tpu.memory_space<hbm>>
      tpu.enqueue_indirect_dma source(%dma_start3A_646 : memref<10000x128xf32, #tpu.memory_space<hbm>>) target(%dma_start3A_640 : memref<128x128xf32, #tpu.memory_space<vmem>>) offsets(%dma_start3A_643 : memref<128xi32, #tpu.memory_space<vmem>>) semaphore(%arg9 : memref<!tpu.dma_semaphore, #tpu.memory_space<semaphore_mem>>)
    }
    %while3A_202 = arith.constant 1 : i32
    scf.for %while3A_354 = %while3A_200 to %while3A_196 step %while3A_202  : i32 {
      %mul3A_355 = arith.constant 4 : i32
      %mul3A_356 = arith.muli %while3A_354, %mul3A_355 : i32
      %add3A_357 = arith.constant 0 : i32
      %add3A_358 = arith.addi %mul3A_356, %add3A_357 : i32
      %dma_wait3A_359 = arith.constant 0 : i32
      %dma_wait3A_360 = arith.constant 0 : i32
      %dma_wait3A_361 = arith.constant 0 : i32
      %dma_wait3A_362 = arith.constant 0 : i32
      %dma_wait3A_363 = arith.constant 0 : i32
      %dma_wait3A_364 = tpu.memref_slice %arg6[%dma_wait3A_361, %dma_wait3A_362, %dma_wait3A_363] : memref<2x128x128xf32, #tpu.memory_space<vmem>> -> memref<1x128x128xf32, #tpu.memory_space<vmem>>
      %dma_wait3A_365 = tpu.memref_squeeze %dma_wait3A_364 : memref<1x128x128xf32, #tpu.memory_space<vmem>> -> memref<128x128xf32, #tpu.memory_space<vmem>>
      %dma_wait3A_366 = arith.constant 0 : i32
      %dma_wait3A_367 = tpu.memref_slice %arg5[%dma_wait3A_359, %dma_wait3A_360, %dma_wait3A_366] : memref<4x2x128xi32, #tpu.memory_space<vmem>> -> memref<1x1x128xi32, #tpu.memory_space<vmem>>
      %dma_wait3A_368 = tpu.memref_squeeze %dma_wait3A_367 : memref<1x1x128xi32, #tpu.memory_space<vmem>> -> memref<128xi32, #tpu.memory_space<vmem>>
      %dma_wait3A_369 = arith.constant 0 : i32
      %dma_wait3A_370 = arith.constant 0 : i32
      %dma_wait3A_371 = tpu.memref_slice %arg2[%dma_wait3A_369, %dma_wait3A_370] : memref<10000x128xf32, #tpu.memory_space<hbm>> -> memref<10000x128xf32, #tpu.memory_space<hbm>>
      tpu.wait_indirect_dma semaphore(%arg8 : memref<!tpu.dma_semaphore, #tpu.memory_space<semaphore_mem>>) src(%dma_wait3A_371 : memref<10000x128xf32, #tpu.memory_space<hbm>>) dst(%dma_wait3A_365 : memref<128x128xf32, #tpu.memory_space<vmem>>)
      %run_scoped3A_372 = arith.constant 0 : i32
      %run_scoped3A_373 = arith.constant 0 : i32
      %run_scoped3A_374 = arith.constant 1 : i32
      "tpu.region"() ({
        %run_scoped3A_647 = tpu.sem_alloc : memref<!tpu.dma_semaphore, #tpu.memory_space<semaphore_mem>>
        %dma_start3A_648 = arith.constant 0 : i32
        %dma_start3A_649 = arith.constant 0 : i32
        %dma_start3A_650 = tpu.memref_slice %arg6[%run_scoped3A_372, %dma_start3A_648, %dma_start3A_649] : memref<2x128x128xf32, #tpu.memory_space<vmem>> -> memref<1x128x128xf32, #tpu.memory_space<vmem>>
        %dma_start3A_651 = tpu.memref_squeeze %dma_start3A_650 : memref<1x128x128xf32, #tpu.memory_space<vmem>> -> memref<128x128xf32, #tpu.memory_space<vmem>>
        %dma_start3A_652 = arith.constant 0 : i32
        %dma_start3A_653 = tpu.memref_slice %arg5[%run_scoped3A_373, %run_scoped3A_374, %dma_start3A_652] : memref<4x2x128xi32, #tpu.memory_space<vmem>> -> memref<1x1x128xi32, #tpu.memory_space<vmem>>
        %dma_start3A_654 = tpu.memref_squeeze %dma_start3A_653 : memref<1x1x128xi32, #tpu.memory_space<vmem>> -> memref<128xi32, #tpu.memory_space<vmem>>
        %dma_start3A_655 = arith.constant 0 : i32
        %dma_start3A_656 = arith.constant 0 : i32
        %dma_start3A_657 = tpu.memref_slice %arg7[%dma_start3A_655, %dma_start3A_656] : memref<10240x128xf32, #tpu.memory_space<vmem_shared>> -> memref<10240x128xf32, #tpu.memory_space<vmem_shared>>
        tpu.enqueue_indirect_dma source(%dma_start3A_651 : memref<128x128xf32, #tpu.memory_space<vmem>>) target(%dma_start3A_657 : memref<10240x128xf32, #tpu.memory_space<vmem_shared>>) offsets(%dma_start3A_654 : memref<128xi32, #tpu.memory_space<vmem>>) semaphore(%run_scoped3A_647 : memref<!tpu.dma_semaphore, #tpu.memory_space<semaphore_mem>>) {add = true}
        %dma_wait3A_658 = arith.constant 0 : i32
        %dma_wait3A_659 = arith.constant 0 : i32
        %dma_wait3A_660 = tpu.memref_slice %arg6[%run_scoped3A_372, %dma_wait3A_658, %dma_wait3A_659] : memref<2x128x128xf32, #tpu.memory_space<vmem>> -> memref<1x128x128xf32, #tpu.memory_space<vmem>>
        %dma_wait3A_661 = tpu.memref_squeeze %dma_wait3A_660 : memref<1x128x128xf32, #tpu.memory_space<vmem>> -> memref<128x128xf32, #tpu.memory_space<vmem>>
        %dma_wait3A_662 = arith.constant 0 : i32
        %dma_wait3A_663 = tpu.memref_slice %arg5[%run_scoped3A_373, %run_scoped3A_374, %dma_wait3A_662] : memref<4x2x128xi32, #tpu.memory_space<vmem>> -> memref<1x1x128xi32, #tpu.memory_space<vmem>>
        %dma_wait3A_664 = tpu.memref_squeeze %dma_wait3A_663 : memref<1x1x128xi32, #tpu.memory_space<vmem>> -> memref<128xi32, #tpu.memory_space<vmem>>
        %dma_wait3A_665 = arith.constant 0 : i32
        %dma_wait3A_666 = arith.constant 0 : i32
        %dma_wait3A_667 = tpu.memref_slice %arg7[%dma_wait3A_665, %dma_wait3A_666] : memref<10240x128xf32, #tpu.memory_space<vmem_shared>> -> memref<10240x128xf32, #tpu.memory_space<vmem_shared>>
        tpu.wait_indirect_dma semaphore(%run_scoped3A_647 : memref<!tpu.dma_semaphore, #tpu.memory_space<semaphore_mem>>) src(%dma_wait3A_661 : memref<128x128xf32, #tpu.memory_space<vmem>>) dst(%dma_wait3A_667 : memref<10240x128xf32, #tpu.memory_space<vmem_shared>>)
        tpu.yield
      }) : () -> ()
      %add3A_375 = arith.addi %select_n3A_6, %add3A_358 : i32
      %add3A_376 = arith.constant 4 : i32
      %add3A_377 = arith.addi %add3A_375, %add3A_376 : i32
      %dma_start3A_378 = arith.constant 0 : i32
      %dma_start3A_379 = arith.constant 0 : i32
      %dma_start3A_380 = arith.constant 0 : i32
      %dma_start3A_381 = tpu.memref_slice %arg5[%dma_start3A_378, %dma_start3A_379, %dma_start3A_380] : memref<4x2x128xi32, #tpu.memory_space<vmem>> -> memref<1x2x128xi32, #tpu.memory_space<vmem>>
      %dma_start3A_382 = tpu.memref_squeeze %dma_start3A_381 : memref<1x2x128xi32, #tpu.memory_space<vmem>> -> memref<2x128xi32, #tpu.memory_space<vmem>>
      %dma_start3A_383 = arith.constant 0 : i32
      %dma_start3A_384 = arith.constant 0 : i32
      %dma_start3A_385 = tpu.memref_slice %arg3[%add3A_377, %dma_start3A_383, %dma_start3A_384] : memref<2560x2x128xi32, #tpu.memory_space<hbm>> -> memref<1x2x128xi32, #tpu.memory_space<hbm>>
      %dma_start3A_386 = tpu.memref_squeeze %dma_start3A_385 : memref<1x2x128xi32, #tpu.memory_space<hbm>> -> memref<2x128xi32, #tpu.memory_space<hbm>>
      %dma_start3A_387 = arith.constant 0 : i32
      %dma_start3A_388 = arith.constant 0 : i32
      %dma_start3A_389 = tpu.memref_slice %arg5[%dma_start3A_378, %dma_start3A_387, %dma_start3A_388] : memref<4x2x128xi32, #tpu.memory_space<vmem>> -> memref<1x2x128xi32, #tpu.memory_space<vmem>>
      %dma_start3A_390 = tpu.memref_squeeze %dma_start3A_389 : memref<1x2x128xi32, #tpu.memory_space<vmem>> -> memref<2x128xi32, #tpu.memory_space<vmem>>
      %dma_start3A_391 = arith.constant 0 : i32
      %dma_start3A_392 = arith.constant 0 : i32
      %dma_start3A_393 = tpu.memref_slice %arg3[%add3A_377, %dma_start3A_391, %dma_start3A_392] : memref<2560x2x128xi32, #tpu.memory_space<hbm>> -> memref<1x2x128xi32, #tpu.memory_space<hbm>>
      %dma_start3A_394 = tpu.memref_squeeze %dma_start3A_393 : memref<1x2x128xi32, #tpu.memory_space<hbm>> -> memref<2x128xi32, #tpu.memory_space<hbm>>
      tpu.enqueue_dma source(%dma_start3A_394 : memref<2x128xi32, #tpu.memory_space<hbm>>) target(%dma_start3A_390 : memref<2x128xi32, #tpu.memory_space<vmem>>) target_semaphore(%arg10 : memref<!tpu.dma_semaphore, #tpu.memory_space<semaphore_mem>>)
      %add3A_395 = arith.addi %select_n3A_6, %add3A_358 : i32
      %add3A_396 = arith.constant 2 : i32
      %add3A_397 = arith.addi %add3A_395, %add3A_396 : i32
      %dma_wait3A_398 = arith.constant 2 : i32
      %dma_wait3A_399 = arith.constant 0 : i32
      %dma_wait3A_400 = arith.constant 0 : i32
      %dma_wait3A_401 = tpu.memref_slice %arg5[%dma_wait3A_398, %dma_wait3A_399, %dma_wait3A_400] : memref<4x2x128xi32, #tpu.memory_space<vmem>> -> memref<1x2x128xi32, #tpu.memory_space<vmem>>
      %dma_wait3A_402 = tpu.memref_squeeze %dma_wait3A_401 : memref<1x2x128xi32, #tpu.memory_space<vmem>> -> memref<2x128xi32, #tpu.memory_space<vmem>>
      %dma_wait3A_403 = arith.constant 0 : i32
      %dma_wait3A_404 = arith.constant 0 : i32
      %dma_wait3A_405 = tpu.memref_slice %arg3[%add3A_397, %dma_wait3A_403, %dma_wait3A_404] : memref<2560x2x128xi32, #tpu.memory_space<hbm>> -> memref<1x2x128xi32, #tpu.memory_space<hbm>>
      %dma_wait3A_406 = tpu.memref_squeeze %dma_wait3A_405 : memref<1x2x128xi32, #tpu.memory_space<hbm>> -> memref<2x128xi32, #tpu.memory_space<hbm>>
      %dma_wait3A_407 = arith.constant 0 : i32
      %dma_wait3A_408 = arith.constant 0 : i32
      %dma_wait3A_409 = tpu.memref_slice %arg5[%dma_wait3A_398, %dma_wait3A_407, %dma_wait3A_408] : memref<4x2x128xi32, #tpu.memory_space<vmem>> -> memref<1x2x128xi32, #tpu.memory_space<vmem>>
      %dma_wait3A_410 = tpu.memref_squeeze %dma_wait3A_409 : memref<1x2x128xi32, #tpu.memory_space<vmem>> -> memref<2x128xi32, #tpu.memory_space<vmem>>
      %dma_wait3A_411 = arith.constant 0 : i32
      %dma_wait3A_412 = arith.constant 0 : i32
      %dma_wait3A_413 = tpu.memref_slice %arg3[%add3A_397, %dma_wait3A_411, %dma_wait3A_412] : memref<2560x2x128xi32, #tpu.memory_space<hbm>> -> memref<1x2x128xi32, #tpu.memory_space<hbm>>
      %dma_wait3A_414 = tpu.memref_squeeze %dma_wait3A_413 : memref<1x2x128xi32, #tpu.memory_space<hbm>> -> memref<2x128xi32, #tpu.memory_space<hbm>>
      tpu.wait_dma2 semaphore(%arg12 : memref<!tpu.dma_semaphore, #tpu.memory_space<semaphore_mem>>) src(%dma_wait3A_414 : memref<2x128xi32, #tpu.memory_space<hbm>>) dst(%dma_wait3A_410 : memref<2x128xi32, #tpu.memory_space<vmem>>)
      %dma_start3A_415 = arith.constant 2 : i32
      %dma_start3A_416 = arith.constant 0 : i32
      %dma_start3A_417 = arith.constant 0 : i32
      %dma_start3A_418 = arith.constant 0 : i32
      %dma_start3A_419 = arith.constant 0 : i32
      %dma_start3A_420 = tpu.memref_slice %arg6[%dma_start3A_417, %dma_start3A_418, %dma_start3A_419] : memref<2x128x128xf32, #tpu.memory_space<vmem>> -> memref<1x128x128xf32, #tpu.memory_space<vmem>>
      %dma_start3A_421 = tpu.memref_squeeze %dma_start3A_420 : memref<1x128x128xf32, #tpu.memory_space<vmem>> -> memref<128x128xf32, #tpu.memory_space<vmem>>
      %dma_start3A_422 = arith.constant 0 : i32
      %dma_start3A_423 = tpu.memref_slice %arg5[%dma_start3A_415, %dma_start3A_416, %dma_start3A_422] : memref<4x2x128xi32, #tpu.memory_space<vmem>> -> memref<1x1x128xi32, #tpu.memory_space<vmem>>
      %dma_start3A_424 = tpu.memref_squeeze %dma_start3A_423 : memref<1x1x128xi32, #tpu.memory_space<vmem>> -> memref<128xi32, #tpu.memory_space<vmem>>
      %dma_start3A_425 = arith.constant 0 : i32
      %dma_start3A_426 = arith.constant 0 : i32
      %dma_start3A_427 = tpu.memref_slice %arg2[%dma_start3A_425, %dma_start3A_426] : memref<10000x128xf32, #tpu.memory_space<hbm>> -> memref<10000x128xf32, #tpu.memory_space<hbm>>
      tpu.enqueue_indirect_dma source(%dma_start3A_427 : memref<10000x128xf32, #tpu.memory_space<hbm>>) target(%dma_start3A_421 : memref<128x128xf32, #tpu.memory_space<vmem>>) offsets(%dma_start3A_424 : memref<128xi32, #tpu.memory_space<vmem>>) semaphore(%arg8 : memref<!tpu.dma_semaphore, #tpu.memory_space<semaphore_mem>>)
      %mul3A_428 = arith.constant 4 : i32
      %mul3A_429 = arith.muli %while3A_354, %mul3A_428 : i32
      %add3A_430 = arith.constant 1 : i32
      %add3A_431 = arith.addi %mul3A_429, %add3A_430 : i32
      %dma_wait3A_432 = arith.constant 1 : i32
      %dma_wait3A_433 = arith.constant 0 : i32
      %dma_wait3A_434 = arith.constant 1 : i32
      %dma_wait3A_435 = arith.constant 0 : i32
      %dma_wait3A_436 = arith.constant 0 : i32
      %dma_wait3A_437 = tpu.memref_slice %arg6[%dma_wait3A_434, %dma_wait3A_435, %dma_wait3A_436] : memref<2x128x128xf32, #tpu.memory_space<vmem>> -> memref<1x128x128xf32, #tpu.memory_space<vmem>>
      %dma_wait3A_438 = tpu.memref_squeeze %dma_wait3A_437 : memref<1x128x128xf32, #tpu.memory_space<vmem>> -> memref<128x128xf32, #tpu.memory_space<vmem>>
      %dma_wait3A_439 = arith.constant 0 : i32
      %dma_wait3A_440 = tpu.memref_slice %arg5[%dma_wait3A_432, %dma_wait3A_433, %dma_wait3A_439] : memref<4x2x128xi32, #tpu.memory_space<vmem>> -> memref<1x1x128xi32, #tpu.memory_space<vmem>>
      %dma_wait3A_441 = tpu.memref_squeeze %dma_wait3A_440 : memref<1x1x128xi32, #tpu.memory_space<vmem>> -> memref<128xi32, #tpu.memory_space<vmem>>
      %dma_wait3A_442 = arith.constant 0 : i32
      %dma_wait3A_443 = arith.constant 0 : i32
      %dma_wait3A_444 = tpu.memref_slice %arg2[%dma_wait3A_442, %dma_wait3A_443] : memref<10000x128xf32, #tpu.memory_space<hbm>> -> memref<10000x128xf32, #tpu.memory_space<hbm>>
      tpu.wait_indirect_dma semaphore(%arg9 : memref<!tpu.dma_semaphore, #tpu.memory_space<semaphore_mem>>) src(%dma_wait3A_444 : memref<10000x128xf32, #tpu.memory_space<hbm>>) dst(%dma_wait3A_438 : memref<128x128xf32, #tpu.memory_space<vmem>>)
      %run_scoped3A_445 = arith.constant 1 : i32
      %run_scoped3A_446 = arith.constant 1 : i32
      %run_scoped3A_447 = arith.constant 1 : i32
      "tpu.region"() ({
        %run_scoped3A_647 = tpu.sem_alloc : memref<!tpu.dma_semaphore, #tpu.memory_space<semaphore_mem>>
        %dma_start3A_648 = arith.constant 0 : i32
        %dma_start3A_649 = arith.constant 0 : i32
        %dma_start3A_650 = tpu.memref_slice %arg6[%run_scoped3A_445, %dma_start3A_648, %dma_start3A_649] : memref<2x128x128xf32, #tpu.memory_space<vmem>> -> memref<1x128x128xf32, #tpu.memory_space<vmem>>
        %dma_start3A_651 = tpu.memref_squeeze %dma_start3A_650 : memref<1x128x128xf32, #tpu.memory_space<vmem>> -> memref<128x128xf32, #tpu.memory_space<vmem>>
        %dma_start3A_652 = arith.constant 0 : i32
        %dma_start3A_653 = tpu.memref_slice %arg5[%run_scoped3A_446, %run_scoped3A_447, %dma_start3A_652] : memref<4x2x128xi32, #tpu.memory_space<vmem>> -> memref<1x1x128xi32, #tpu.memory_space<vmem>>
        %dma_start3A_654 = tpu.memref_squeeze %dma_start3A_653 : memref<1x1x128xi32, #tpu.memory_space<vmem>> -> memref<128xi32, #tpu.memory_space<vmem>>
        %dma_start3A_655 = arith.constant 0 : i32
        %dma_start3A_656 = arith.constant 0 : i32
        %dma_start3A_657 = tpu.memref_slice %arg7[%dma_start3A_655, %dma_start3A_656] : memref<10240x128xf32, #tpu.memory_space<vmem_shared>> -> memref<10240x128xf32, #tpu.memory_space<vmem_shared>>
        tpu.enqueue_indirect_dma source(%dma_start3A_651 : memref<128x128xf32, #tpu.memory_space<vmem>>) target(%dma_start3A_657 : memref<10240x128xf32, #tpu.memory_space<vmem_shared>>) offsets(%dma_start3A_654 : memref<128xi32, #tpu.memory_space<vmem>>) semaphore(%run_scoped3A_647 : memref<!tpu.dma_semaphore, #tpu.memory_space<semaphore_mem>>) {add = true}
        %dma_wait3A_658 = arith.constant 0 : i32
        %dma_wait3A_659 = arith.constant 0 : i32
        %dma_wait3A_660 = tpu.memref_slice %arg6[%run_scoped3A_445, %dma_wait3A_658, %dma_wait3A_659] : memref<2x128x128xf32, #tpu.memory_space<vmem>> -> memref<1x128x128xf32, #tpu.memory_space<vmem>>
        %dma_wait3A_661 = tpu.memref_squeeze %dma_wait3A_660 : memref<1x128x128xf32, #tpu.memory_space<vmem>> -> memref<128x128xf32, #tpu.memory_space<vmem>>
        %dma_wait3A_662 = arith.constant 0 : i32
        %dma_wait3A_663 = tpu.memref_slice %arg5[%run_scoped3A_446, %run_scoped3A_447, %dma_wait3A_662] : memref<4x2x128xi32, #tpu.memory_space<vmem>> -> memref<1x1x128xi32, #tpu.memory_space<vmem>>
        %dma_wait3A_664 = tpu.memref_squeeze %dma_wait3A_663 : memref<1x1x128xi32, #tpu.memory_space<vmem>> -> memref<128xi32, #tpu.memory_space<vmem>>
        %dma_wait3A_665 = arith.constant 0 : i32
        %dma_wait3A_666 = arith.constant 0 : i32
        %dma_wait3A_667 = tpu.memref_slice %arg7[%dma_wait3A_665, %dma_wait3A_666] : memref<10240x128xf32, #tpu.memory_space<vmem_shared>> -> memref<10240x128xf32, #tpu.memory_space<vmem_shared>>
        tpu.wait_indirect_dma semaphore(%run_scoped3A_647 : memref<!tpu.dma_semaphore, #tpu.memory_space<semaphore_mem>>) src(%dma_wait3A_661 : memref<128x128xf32, #tpu.memory_space<vmem>>) dst(%dma_wait3A_667 : memref<10240x128xf32, #tpu.memory_space<vmem_shared>>)
        tpu.yield
      }) : () -> ()
      %add3A_448 = arith.addi %select_n3A_6, %add3A_431 : i32
      %add3A_449 = arith.constant 4 : i32
      %add3A_450 = arith.addi %add3A_448, %add3A_449 : i32
      %dma_start3A_451 = arith.constant 1 : i32
      %dma_start3A_452 = arith.constant 0 : i32
      %dma_start3A_453 = arith.constant 0 : i32
      %dma_start3A_454 = tpu.memref_slice %arg5[%dma_start3A_451, %dma_start3A_452, %dma_start3A_453] : memref<4x2x128xi32, #tpu.memory_space<vmem>> -> memref<1x2x128xi32, #tpu.memory_space<vmem>>
      %dma_start3A_455 = tpu.memref_squeeze %dma_start3A_454 : memref<1x2x128xi32, #tpu.memory_space<vmem>> -> memref<2x128xi32, #tpu.memory_space<vmem>>
      %dma_start3A_456 = arith.constant 0 : i32
      %dma_start3A_457 = arith.constant 0 : i32
      %dma_start3A_458 = tpu.memref_slice %arg3[%add3A_450, %dma_start3A_456, %dma_start3A_457] : memref<2560x2x128xi32, #tpu.memory_space<hbm>> -> memref<1x2x128xi32, #tpu.memory_space<hbm>>
      %dma_start3A_459 = tpu.memref_squeeze %dma_start3A_458 : memref<1x2x128xi32, #tpu.memory_space<hbm>> -> memref<2x128xi32, #tpu.memory_space<hbm>>
      %dma_start3A_460 = arith.constant 0 : i32
      %dma_start3A_461 = arith.constant 0 : i32
      %dma_start3A_462 = tpu.memref_slice %arg5[%dma_start3A_451, %dma_start3A_460, %dma_start3A_461] : memref<4x2x128xi32, #tpu.memory_space<vmem>> -> memref<1x2x128xi32, #tpu.memory_space<vmem>>
      %dma_start3A_463 = tpu.memref_squeeze %dma_start3A_462 : memref<1x2x128xi32, #tpu.memory_space<vmem>> -> memref<2x128xi32, #tpu.memory_space<vmem>>
      %dma_start3A_464 = arith.constant 0 : i32
      %dma_start3A_465 = arith.constant 0 : i32
      %dma_start3A_466 = tpu.memref_slice %arg3[%add3A_450, %dma_start3A_464, %dma_start3A_465] : memref<2560x2x128xi32, #tpu.memory_space<hbm>> -> memref<1x2x128xi32, #tpu.memory_space<hbm>>
      %dma_start3A_467 = tpu.memref_squeeze %dma_start3A_466 : memref<1x2x128xi32, #tpu.memory_space<hbm>> -> memref<2x128xi32, #tpu.memory_space<hbm>>
      tpu.enqueue_dma source(%dma_start3A_467 : memref<2x128xi32, #tpu.memory_space<hbm>>) target(%dma_start3A_463 : memref<2x128xi32, #tpu.memory_space<vmem>>) target_semaphore(%arg11 : memref<!tpu.dma_semaphore, #tpu.memory_space<semaphore_mem>>)
      %add3A_468 = arith.addi %select_n3A_6, %add3A_431 : i32
      %add3A_469 = arith.constant 2 : i32
      %add3A_470 = arith.addi %add3A_468, %add3A_469 : i32
      %dma_wait3A_471 = arith.constant 3 : i32
      %dma_wait3A_472 = arith.constant 0 : i32
      %dma_wait3A_473 = arith.constant 0 : i32
      %dma_wait3A_474 = tpu.memref_slice %arg5[%dma_wait3A_471, %dma_wait3A_472, %dma_wait3A_473] : memref<4x2x128xi32, #tpu.memory_space<vmem>> -> memref<1x2x128xi32, #tpu.memory_space<vmem>>
      %dma_wait3A_475 = tpu.memref_squeeze %dma_wait3A_474 : memref<1x2x128xi32, #tpu.memory_space<vmem>> -> memref<2x128xi32, #tpu.memory_space<vmem>>
      %dma_wait3A_476 = arith.constant 0 : i32
      %dma_wait3A_477 = arith.constant 0 : i32
      %dma_wait3A_478 = tpu.memref_slice %arg3[%add3A_470, %dma_wait3A_476, %dma_wait3A_477] : memref<2560x2x128xi32, #tpu.memory_space<hbm>> -> memref<1x2x128xi32, #tpu.memory_space<hbm>>
      %dma_wait3A_479 = tpu.memref_squeeze %dma_wait3A_478 : memref<1x2x128xi32, #tpu.memory_space<hbm>> -> memref<2x128xi32, #tpu.memory_space<hbm>>
      %dma_wait3A_480 = arith.constant 0 : i32
      %dma_wait3A_481 = arith.constant 0 : i32
      %dma_wait3A_482 = tpu.memref_slice %arg5[%dma_wait3A_471, %dma_wait3A_480, %dma_wait3A_481] : memref<4x2x128xi32, #tpu.memory_space<vmem>> -> memref<1x2x128xi32, #tpu.memory_space<vmem>>
      %dma_wait3A_483 = tpu.memref_squeeze %dma_wait3A_482 : memref<1x2x128xi32, #tpu.memory_space<vmem>> -> memref<2x128xi32, #tpu.memory_space<vmem>>
      %dma_wait3A_484 = arith.constant 0 : i32
      %dma_wait3A_485 = arith.constant 0 : i32
      %dma_wait3A_486 = tpu.memref_slice %arg3[%add3A_470, %dma_wait3A_484, %dma_wait3A_485] : memref<2560x2x128xi32, #tpu.memory_space<hbm>> -> memref<1x2x128xi32, #tpu.memory_space<hbm>>
      %dma_wait3A_487 = tpu.memref_squeeze %dma_wait3A_486 : memref<1x2x128xi32, #tpu.memory_space<hbm>> -> memref<2x128xi32, #tpu.memory_space<hbm>>
      tpu.wait_dma2 semaphore(%arg13 : memref<!tpu.dma_semaphore, #tpu.memory_space<semaphore_mem>>) src(%dma_wait3A_487 : memref<2x128xi32, #tpu.memory_space<hbm>>) dst(%dma_wait3A_483 : memref<2x128xi32, #tpu.memory_space<vmem>>)
      %dma_start3A_488 = arith.constant 3 : i32
      %dma_start3A_489 = arith.constant 0 : i32
      %dma_start3A_490 = arith.constant 1 : i32
      %dma_start3A_491 = arith.constant 0 : i32
      %dma_start3A_492 = arith.constant 0 : i32
      %dma_start3A_493 = tpu.memref_slice %arg6[%dma_start3A_490, %dma_start3A_491, %dma_start3A_492] : memref<2x128x128xf32, #tpu.memory_space<vmem>> -> memref<1x128x128xf32, #tpu.memory_space<vmem>>
      %dma_start3A_494 = tpu.memref_squeeze %dma_start3A_493 : memref<1x128x128xf32, #tpu.memory_space<vmem>> -> memref<128x128xf32, #tpu.memory_space<vmem>>
      %dma_start3A_495 = arith.constant 0 : i32
      %dma_start3A_496 = tpu.memref_slice %arg5[%dma_start3A_488, %dma_start3A_489, %dma_start3A_495] : memref<4x2x128xi32, #tpu.memory_space<vmem>> -> memref<1x1x128xi32, #tpu.memory_space<vmem>>
      %dma_start3A_497 = tpu.memref_squeeze %dma_start3A_496 : memref<1x1x128xi32, #tpu.memory_space<vmem>> -> memref<128xi32, #tpu.memory_space<vmem>>
      %dma_start3A_498 = arith.constant 0 : i32
      %dma_start3A_499 = arith.constant 0 : i32
      %dma_start3A_500 = tpu.memref_slice %arg2[%dma_start3A_498, %dma_start3A_499] : memref<10000x128xf32, #tpu.memory_space<hbm>> -> memref<10000x128xf32, #tpu.memory_space<hbm>>
      tpu.enqueue_indirect_dma source(%dma_start3A_500 : memref<10000x128xf32, #tpu.memory_space<hbm>>) target(%dma_start3A_494 : memref<128x128xf32, #tpu.memory_space<vmem>>) offsets(%dma_start3A_497 : memref<128xi32, #tpu.memory_space<vmem>>) semaphore(%arg9 : memref<!tpu.dma_semaphore, #tpu.memory_space<semaphore_mem>>)
      %mul3A_501 = arith.constant 4 : i32
      %mul3A_502 = arith.muli %while3A_354, %mul3A_501 : i32
      %add3A_503 = arith.constant 2 : i32
      %add3A_504 = arith.addi %mul3A_502, %add3A_503 : i32
      %dma_wait3A_505 = arith.constant 2 : i32
      %dma_wait3A_506 = arith.constant 0 : i32
      %dma_wait3A_507 = arith.constant 0 : i32
      %dma_wait3A_508 = arith.constant 0 : i32
      %dma_wait3A_509 = arith.constant 0 : i32
      %dma_wait3A_510 = tpu.memref_slice %arg6[%dma_wait3A_507, %dma_wait3A_508, %dma_wait3A_509] : memref<2x128x128xf32, #tpu.memory_space<vmem>> -> memref<1x128x128xf32, #tpu.memory_space<vmem>>
      %dma_wait3A_511 = tpu.memref_squeeze %dma_wait3A_510 : memref<1x128x128xf32, #tpu.memory_space<vmem>> -> memref<128x128xf32, #tpu.memory_space<vmem>>
      %dma_wait3A_512 = arith.constant 0 : i32
      %dma_wait3A_513 = tpu.memref_slice %arg5[%dma_wait3A_505, %dma_wait3A_506, %dma_wait3A_512] : memref<4x2x128xi32, #tpu.memory_space<vmem>> -> memref<1x1x128xi32, #tpu.memory_space<vmem>>
      %dma_wait3A_514 = tpu.memref_squeeze %dma_wait3A_513 : memref<1x1x128xi32, #tpu.memory_space<vmem>> -> memref<128xi32, #tpu.memory_space<vmem>>
      %dma_wait3A_515 = arith.constant 0 : i32
      %dma_wait3A_516 = arith.constant 0 : i32
      %dma_wait3A_517 = tpu.memref_slice %arg2[%dma_wait3A_515, %dma_wait3A_516] : memref<10000x128xf32, #tpu.memory_space<hbm>> -> memref<10000x128xf32, #tpu.memory_space<hbm>>
      tpu.wait_indirect_dma semaphore(%arg8 : memref<!tpu.dma_semaphore, #tpu.memory_space<semaphore_mem>>) src(%dma_wait3A_517 : memref<10000x128xf32, #tpu.memory_space<hbm>>) dst(%dma_wait3A_511 : memref<128x128xf32, #tpu.memory_space<vmem>>)
      %run_scoped3A_518 = arith.constant 0 : i32
      %run_scoped3A_519 = arith.constant 2 : i32
      %run_scoped3A_520 = arith.constant 1 : i32
      "tpu.region"() ({
        %run_scoped3A_647 = tpu.sem_alloc : memref<!tpu.dma_semaphore, #tpu.memory_space<semaphore_mem>>
        %dma_start3A_648 = arith.constant 0 : i32
        %dma_start3A_649 = arith.constant 0 : i32
        %dma_start3A_650 = tpu.memref_slice %arg6[%run_scoped3A_518, %dma_start3A_648, %dma_start3A_649] : memref<2x128x128xf32, #tpu.memory_space<vmem>> -> memref<1x128x128xf32, #tpu.memory_space<vmem>>
        %dma_start3A_651 = tpu.memref_squeeze %dma_start3A_650 : memref<1x128x128xf32, #tpu.memory_space<vmem>> -> memref<128x128xf32, #tpu.memory_space<vmem>>
        %dma_start3A_652 = arith.constant 0 : i32
        %dma_start3A_653 = tpu.memref_slice %arg5[%run_scoped3A_519, %run_scoped3A_520, %dma_start3A_652] : memref<4x2x128xi32, #tpu.memory_space<vmem>> -> memref<1x1x128xi32, #tpu.memory_space<vmem>>
        %dma_start3A_654 = tpu.memref_squeeze %dma_start3A_653 : memref<1x1x128xi32, #tpu.memory_space<vmem>> -> memref<128xi32, #tpu.memory_space<vmem>>
        %dma_start3A_655 = arith.constant 0 : i32
        %dma_start3A_656 = arith.constant 0 : i32
        %dma_start3A_657 = tpu.memref_slice %arg7[%dma_start3A_655, %dma_start3A_656] : memref<10240x128xf32, #tpu.memory_space<vmem_shared>> -> memref<10240x128xf32, #tpu.memory_space<vmem_shared>>
        tpu.enqueue_indirect_dma source(%dma_start3A_651 : memref<128x128xf32, #tpu.memory_space<vmem>>) target(%dma_start3A_657 : memref<10240x128xf32, #tpu.memory_space<vmem_shared>>) offsets(%dma_start3A_654 : memref<128xi32, #tpu.memory_space<vmem>>) semaphore(%run_scoped3A_647 : memref<!tpu.dma_semaphore, #tpu.memory_space<semaphore_mem>>) {add = true}
        %dma_wait3A_658 = arith.constant 0 : i32
        %dma_wait3A_659 = arith.constant 0 : i32
        %dma_wait3A_660 = tpu.memref_slice %arg6[%run_scoped3A_518, %dma_wait3A_658, %dma_wait3A_659] : memref<2x128x128xf32, #tpu.memory_space<vmem>> -> memref<1x128x128xf32, #tpu.memory_space<vmem>>
        %dma_wait3A_661 = tpu.memref_squeeze %dma_wait3A_660 : memref<1x128x128xf32, #tpu.memory_space<vmem>> -> memref<128x128xf32, #tpu.memory_space<vmem>>
        %dma_wait3A_662 = arith.constant 0 : i32
        %dma_wait3A_663 = tpu.memref_slice %arg5[%run_scoped3A_519, %run_scoped3A_520, %dma_wait3A_662] : memref<4x2x128xi32, #tpu.memory_space<vmem>> -> memref<1x1x128xi32, #tpu.memory_space<vmem>>
        %dma_wait3A_664 = tpu.memref_squeeze %dma_wait3A_663 : memref<1x1x128xi32, #tpu.memory_space<vmem>> -> memref<128xi32, #tpu.memory_space<vmem>>
        %dma_wait3A_665 = arith.constant 0 : i32
        %dma_wait3A_666 = arith.constant 0 : i32
        %dma_wait3A_667 = tpu.memref_slice %arg7[%dma_wait3A_665, %dma_wait3A_666] : memref<10240x128xf32, #tpu.memory_space<vmem_shared>> -> memref<10240x128xf32, #tpu.memory_space<vmem_shared>>
        tpu.wait_indirect_dma semaphore(%run_scoped3A_647 : memref<!tpu.dma_semaphore, #tpu.memory_space<semaphore_mem>>) src(%dma_wait3A_661 : memref<128x128xf32, #tpu.memory_space<vmem>>) dst(%dma_wait3A_667 : memref<10240x128xf32, #tpu.memory_space<vmem_shared>>)
        tpu.yield
      }) : () -> ()
      %add3A_521 = arith.addi %select_n3A_6, %add3A_504 : i32
      %add3A_522 = arith.constant 4 : i32
      %add3A_523 = arith.addi %add3A_521, %add3A_522 : i32
      %dma_start3A_524 = arith.constant 2 : i32
      %dma_start3A_525 = arith.constant 0 : i32
      %dma_start3A_526 = arith.constant 0 : i32
      %dma_start3A_527 = tpu.memref_slice %arg5[%dma_start3A_524, %dma_start3A_525, %dma_start3A_526] : memref<4x2x128xi32, #tpu.memory_space<vmem>> -> memref<1x2x128xi32, #tpu.memory_space<vmem>>
      %dma_start3A_528 = tpu.memref_squeeze %dma_start3A_527 : memref<1x2x128xi32, #tpu.memory_space<vmem>> -> memref<2x128xi32, #tpu.memory_space<vmem>>
      %dma_start3A_529 = arith.constant 0 : i32
      %dma_start3A_530 = arith.constant 0 : i32
      %dma_start3A_531 = tpu.memref_slice %arg3[%add3A_523, %dma_start3A_529, %dma_start3A_530] : memref<2560x2x128xi32, #tpu.memory_space<hbm>> -> memref<1x2x128xi32, #tpu.memory_space<hbm>>
      %dma_start3A_532 = tpu.memref_squeeze %dma_start3A_531 : memref<1x2x128xi32, #tpu.memory_space<hbm>> -> memref<2x128xi32, #tpu.memory_space<hbm>>
      %dma_start3A_533 = arith.constant 0 : i32
      %dma_start3A_534 = arith.constant 0 : i32
      %dma_start3A_535 = tpu.memref_slice %arg5[%dma_start3A_524, %dma_start3A_533, %dma_start3A_534] : memref<4x2x128xi32, #tpu.memory_space<vmem>> -> memref<1x2x128xi32, #tpu.memory_space<vmem>>
      %dma_start3A_536 = tpu.memref_squeeze %dma_start3A_535 : memref<1x2x128xi32, #tpu.memory_space<vmem>> -> memref<2x128xi32, #tpu.memory_space<vmem>>
      %dma_start3A_537 = arith.constant 0 : i32
      %dma_start3A_538 = arith.constant 0 : i32
      %dma_start3A_539 = tpu.memref_slice %arg3[%add3A_523, %dma_start3A_537, %dma_start3A_538] : memref<2560x2x128xi32, #tpu.memory_space<hbm>> -> memref<1x2x128xi32, #tpu.memory_space<hbm>>
      %dma_start3A_540 = tpu.memref_squeeze %dma_start3A_539 : memref<1x2x128xi32, #tpu.memory_space<hbm>> -> memref<2x128xi32, #tpu.memory_space<hbm>>
      tpu.enqueue_dma source(%dma_start3A_540 : memref<2x128xi32, #tpu.memory_space<hbm>>) target(%dma_start3A_536 : memref<2x128xi32, #tpu.memory_space<vmem>>) target_semaphore(%arg12 : memref<!tpu.dma_semaphore, #tpu.memory_space<semaphore_mem>>)
      %add3A_541 = arith.addi %select_n3A_6, %add3A_504 : i32
      %add3A_542 = arith.constant 2 : i32
      %add3A_543 = arith.addi %add3A_541, %add3A_542 : i32
      %dma_wait3A_544 = arith.constant 0 : i32
      %dma_wait3A_545 = arith.constant 0 : i32
      %dma_wait3A_546 = arith.constant 0 : i32
      %dma_wait3A_547 = tpu.memref_slice %arg5[%dma_wait3A_544, %dma_wait3A_545, %dma_wait3A_546] : memref<4x2x128xi32, #tpu.memory_space<vmem>> -> memref<1x2x128xi32, #tpu.memory_space<vmem>>
      %dma_wait3A_548 = tpu.memref_squeeze %dma_wait3A_547 : memref<1x2x128xi32, #tpu.memory_space<vmem>> -> memref<2x128xi32, #tpu.memory_space<vmem>>
      %dma_wait3A_549 = arith.constant 0 : i32
      %dma_wait3A_550 = arith.constant 0 : i32
      %dma_wait3A_551 = tpu.memref_slice %arg3[%add3A_543, %dma_wait3A_549, %dma_wait3A_550] : memref<2560x2x128xi32, #tpu.memory_space<hbm>> -> memref<1x2x128xi32, #tpu.memory_space<hbm>>
      %dma_wait3A_552 = tpu.memref_squeeze %dma_wait3A_551 : memref<1x2x128xi32, #tpu.memory_space<hbm>> -> memref<2x128xi32, #tpu.memory_space<hbm>>
      %dma_wait3A_553 = arith.constant 0 : i32
      %dma_wait3A_554 = arith.constant 0 : i32
      %dma_wait3A_555 = tpu.memref_slice %arg5[%dma_wait3A_544, %dma_wait3A_553, %dma_wait3A_554] : memref<4x2x128xi32, #tpu.memory_space<vmem>> -> memref<1x2x128xi32, #tpu.memory_space<vmem>>
      %dma_wait3A_556 = tpu.memref_squeeze %dma_wait3A_555 : memref<1x2x128xi32, #tpu.memory_space<vmem>> -> memref<2x128xi32, #tpu.memory_space<vmem>>
      %dma_wait3A_557 = arith.constant 0 : i32
      %dma_wait3A_558 = arith.constant 0 : i32
      %dma_wait3A_559 = tpu.memref_slice %arg3[%add3A_543, %dma_wait3A_557, %dma_wait3A_558] : memref<2560x2x128xi32, #tpu.memory_space<hbm>> -> memref<1x2x128xi32, #tpu.memory_space<hbm>>
      %dma_wait3A_560 = tpu.memref_squeeze %dma_wait3A_559 : memref<1x2x128xi32, #tpu.memory_space<hbm>> -> memref<2x128xi32, #tpu.memory_space<hbm>>
      tpu.wait_dma2 semaphore(%arg10 : memref<!tpu.dma_semaphore, #tpu.memory_space<semaphore_mem>>) src(%dma_wait3A_560 : memref<2x128xi32, #tpu.memory_space<hbm>>) dst(%dma_wait3A_556 : memref<2x128xi32, #tpu.memory_space<vmem>>)
      %dma_start3A_561 = arith.constant 0 : i32
      %dma_start3A_562 = arith.constant 0 : i32
      %dma_start3A_563 = arith.constant 0 : i32
      %dma_start3A_564 = arith.constant 0 : i32
      %dma_start3A_565 = arith.constant 0 : i32
      %dma_start3A_566 = tpu.memref_slice %arg6[%dma_start3A_563, %dma_start3A_564, %dma_start3A_565] : memref<2x128x128xf32, #tpu.memory_space<vmem>> -> memref<1x128x128xf32, #tpu.memory_space<vmem>>
      %dma_start3A_567 = tpu.memref_squeeze %dma_start3A_566 : memref<1x128x128xf32, #tpu.memory_space<vmem>> -> memref<128x128xf32, #tpu.memory_space<vmem>>
      %dma_start3A_568 = arith.constant 0 : i32
      %dma_start3A_569 = tpu.memref_slice %arg5[%dma_start3A_561, %dma_start3A_562, %dma_start3A_568] : memref<4x2x128xi32, #tpu.memory_space<vmem>> -> memref<1x1x128xi32, #tpu.memory_space<vmem>>
      %dma_start3A_570 = tpu.memref_squeeze %dma_start3A_569 : memref<1x1x128xi32, #tpu.memory_space<vmem>> -> memref<128xi32, #tpu.memory_space<vmem>>
      %dma_start3A_571 = arith.constant 0 : i32
      %dma_start3A_572 = arith.constant 0 : i32
      %dma_start3A_573 = tpu.memref_slice %arg2[%dma_start3A_571, %dma_start3A_572] : memref<10000x128xf32, #tpu.memory_space<hbm>> -> memref<10000x128xf32, #tpu.memory_space<hbm>>
      tpu.enqueue_indirect_dma source(%dma_start3A_573 : memref<10000x128xf32, #tpu.memory_space<hbm>>) target(%dma_start3A_567 : memref<128x128xf32, #tpu.memory_space<vmem>>) offsets(%dma_start3A_570 : memref<128xi32, #tpu.memory_space<vmem>>) semaphore(%arg8 : memref<!tpu.dma_semaphore, #tpu.memory_space<semaphore_mem>>)
      %mul3A_574 = arith.constant 4 : i32
      %mul3A_575 = arith.muli %while3A_354, %mul3A_574 : i32
      %add3A_576 = arith.constant 3 : i32
      %add3A_577 = arith.addi %mul3A_575, %add3A_576 : i32
      %dma_wait3A_578 = arith.constant 3 : i32
      %dma_wait3A_579 = arith.constant 0 : i32
      %dma_wait3A_580 = arith.constant 1 : i32
      %dma_wait3A_581 = arith.constant 0 : i32
      %dma_wait3A_582 = arith.constant 0 : i32
      %dma_wait3A_583 = tpu.memref_slice %arg6[%dma_wait3A_580, %dma_wait3A_581, %dma_wait3A_582] : memref<2x128x128xf32, #tpu.memory_space<vmem>> -> memref<1x128x128xf32, #tpu.memory_space<vmem>>
      %dma_wait3A_584 = tpu.memref_squeeze %dma_wait3A_583 : memref<1x128x128xf32, #tpu.memory_space<vmem>> -> memref<128x128xf32, #tpu.memory_space<vmem>>
      %dma_wait3A_585 = arith.constant 0 : i32
      %dma_wait3A_586 = tpu.memref_slice %arg5[%dma_wait3A_578, %dma_wait3A_579, %dma_wait3A_585] : memref<4x2x128xi32, #tpu.memory_space<vmem>> -> memref<1x1x128xi32, #tpu.memory_space<vmem>>
      %dma_wait3A_587 = tpu.memref_squeeze %dma_wait3A_586 : memref<1x1x128xi32, #tpu.memory_space<vmem>> -> memref<128xi32, #tpu.memory_space<vmem>>
      %dma_wait3A_588 = arith.constant 0 : i32
      %dma_wait3A_589 = arith.constant 0 : i32
      %dma_wait3A_590 = tpu.memref_slice %arg2[%dma_wait3A_588, %dma_wait3A_589] : memref<10000x128xf32, #tpu.memory_space<hbm>> -> memref<10000x128xf32, #tpu.memory_space<hbm>>
      tpu.wait_indirect_dma semaphore(%arg9 : memref<!tpu.dma_semaphore, #tpu.memory_space<semaphore_mem>>) src(%dma_wait3A_590 : memref<10000x128xf32, #tpu.memory_space<hbm>>) dst(%dma_wait3A_584 : memref<128x128xf32, #tpu.memory_space<vmem>>)
      %run_scoped3A_591 = arith.constant 1 : i32
      %run_scoped3A_592 = arith.constant 3 : i32
      %run_scoped3A_593 = arith.constant 1 : i32
      "tpu.region"() ({
        %run_scoped3A_647 = tpu.sem_alloc : memref<!tpu.dma_semaphore, #tpu.memory_space<semaphore_mem>>
        %dma_start3A_648 = arith.constant 0 : i32
        %dma_start3A_649 = arith.constant 0 : i32
        %dma_start3A_650 = tpu.memref_slice %arg6[%run_scoped3A_591, %dma_start3A_648, %dma_start3A_649] : memref<2x128x128xf32, #tpu.memory_space<vmem>> -> memref<1x128x128xf32, #tpu.memory_space<vmem>>
        %dma_start3A_651 = tpu.memref_squeeze %dma_start3A_650 : memref<1x128x128xf32, #tpu.memory_space<vmem>> -> memref<128x128xf32, #tpu.memory_space<vmem>>
        %dma_start3A_652 = arith.constant 0 : i32
        %dma_start3A_653 = tpu.memref_slice %arg5[%run_scoped3A_592, %run_scoped3A_593, %dma_start3A_652] : memref<4x2x128xi32, #tpu.memory_space<vmem>> -> memref<1x1x128xi32, #tpu.memory_space<vmem>>
        %dma_start3A_654 = tpu.memref_squeeze %dma_start3A_653 : memref<1x1x128xi32, #tpu.memory_space<vmem>> -> memref<128xi32, #tpu.memory_space<vmem>>
        %dma_start3A_655 = arith.constant 0 : i32
        %dma_start3A_656 = arith.constant 0 : i32
        %dma_start3A_657 = tpu.memref_slice %arg7[%dma_start3A_655, %dma_start3A_656] : memref<10240x128xf32, #tpu.memory_space<vmem_shared>> -> memref<10240x128xf32, #tpu.memory_space<vmem_shared>>
        tpu.enqueue_indirect_dma source(%dma_start3A_651 : memref<128x128xf32, #tpu.memory_space<vmem>>) target(%dma_start3A_657 : memref<10240x128xf32, #tpu.memory_space<vmem_shared>>) offsets(%dma_start3A_654 : memref<128xi32, #tpu.memory_space<vmem>>) semaphore(%run_scoped3A_647 : memref<!tpu.dma_semaphore, #tpu.memory_space<semaphore_mem>>) {add = true}
        %dma_wait3A_658 = arith.constant 0 : i32
        %dma_wait3A_659 = arith.constant 0 : i32
        %dma_wait3A_660 = tpu.memref_slice %arg6[%run_scoped3A_591, %dma_wait3A_658, %dma_wait3A_659] : memref<2x128x128xf32, #tpu.memory_space<vmem>> -> memref<1x128x128xf32, #tpu.memory_space<vmem>>
        %dma_wait3A_661 = tpu.memref_squeeze %dma_wait3A_660 : memref<1x128x128xf32, #tpu.memory_space<vmem>> -> memref<128x128xf32, #tpu.memory_space<vmem>>
        %dma_wait3A_662 = arith.constant 0 : i32
        %dma_wait3A_663 = tpu.memref_slice %arg5[%run_scoped3A_592, %run_scoped3A_593, %dma_wait3A_662] : memref<4x2x128xi32, #tpu.memory_space<vmem>> -> memref<1x1x128xi32, #tpu.memory_space<vmem>>
        %dma_wait3A_664 = tpu.memref_squeeze %dma_wait3A_663 : memref<1x1x128xi32, #tpu.memory_space<vmem>> -> memref<128xi32, #tpu.memory_space<vmem>>
        %dma_wait3A_665 = arith.constant 0 : i32
        %dma_wait3A_666 = arith.constant 0 : i32
        %dma_wait3A_667 = tpu.memref_slice %arg7[%dma_wait3A_665, %dma_wait3A_666] : memref<10240x128xf32, #tpu.memory_space<vmem_shared>> -> memref<10240x128xf32, #tpu.memory_space<vmem_shared>>
        tpu.wait_indirect_dma semaphore(%run_scoped3A_647 : memref<!tpu.dma_semaphore, #tpu.memory_space<semaphore_mem>>) src(%dma_wait3A_661 : memref<128x128xf32, #tpu.memory_space<vmem>>) dst(%dma_wait3A_667 : memref<10240x128xf32, #tpu.memory_space<vmem_shared>>)
        tpu.yield
      }) : () -> ()
      %add3A_594 = arith.addi %select_n3A_6, %add3A_577 : i32
      %add3A_595 = arith.constant 4 : i32
      %add3A_596 = arith.addi %add3A_594, %add3A_595 : i32
      %dma_start3A_597 = arith.constant 3 : i32
      %dma_start3A_598 = arith.constant 0 : i32
      %dma_start3A_599 = arith.constant 0 : i32
      %dma_start3A_600 = tpu.memref_slice %arg5[%dma_start3A_597, %dma_start3A_598, %dma_start3A_599] : memref<4x2x128xi32, #tpu.memory_space<vmem>> -> memref<1x2x128xi32, #tpu.memory_space<vmem>>
      %dma_start3A_601 = tpu.memref_squeeze %dma_start3A_600 : memref<1x2x128xi32, #tpu.memory_space<vmem>> -> memref<2x128xi32, #tpu.memory_space<vmem>>
      %dma_start3A_602 = arith.constant 0 : i32
      %dma_start3A_603 = arith.constant 0 : i32
      %dma_start3A_604 = tpu.memref_slice %arg3[%add3A_596, %dma_start3A_602, %dma_start3A_603] : memref<2560x2x128xi32, #tpu.memory_space<hbm>> -> memref<1x2x128xi32, #tpu.memory_space<hbm>>
      %dma_start3A_605 = tpu.memref_squeeze %dma_start3A_604 : memref<1x2x128xi32, #tpu.memory_space<hbm>> -> memref<2x128xi32, #tpu.memory_space<hbm>>
      %dma_start3A_606 = arith.constant 0 : i32
      %dma_start3A_607 = arith.constant 0 : i32
      %dma_start3A_608 = tpu.memref_slice %arg5[%dma_start3A_597, %dma_start3A_606, %dma_start3A_607] : memref<4x2x128xi32, #tpu.memory_space<vmem>> -> memref<1x2x128xi32, #tpu.memory_space<vmem>>
      %dma_start3A_609 = tpu.memref_squeeze %dma_start3A_608 : memref<1x2x128xi32, #tpu.memory_space<vmem>> -> memref<2x128xi32, #tpu.memory_space<vmem>>
      %dma_start3A_610 = arith.constant 0 : i32
      %dma_start3A_611 = arith.constant 0 : i32
      %dma_start3A_612 = tpu.memref_slice %arg3[%add3A_596, %dma_start3A_610, %dma_start3A_611] : memref<2560x2x128xi32, #tpu.memory_space<hbm>> -> memref<1x2x128xi32, #tpu.memory_space<hbm>>
      %dma_start3A_613 = tpu.memref_squeeze %dma_start3A_612 : memref<1x2x128xi32, #tpu.memory_space<hbm>> -> memref<2x128xi32, #tpu.memory_space<hbm>>
      tpu.enqueue_dma source(%dma_start3A_613 : memref<2x128xi32, #tpu.memory_space<hbm>>) target(%dma_start3A_609 : memref<2x128xi32, #tpu.memory_space<vmem>>) target_semaphore(%arg13 : memref<!tpu.dma_semaphore, #tpu.memory_space<semaphore_mem>>)
      %add3A_614 = arith.addi %select_n3A_6, %add3A_577 : i32
      %add3A_615 = arith.constant 2 : i32
      %add3A_616 = arith.addi %add3A_614, %add3A_615 : i32
      %dma_wait3A_617 = arith.constant 1 : i32
      %dma_wait3A_618 = arith.constant 0 : i32
      %dma_wait3A_619 = arith.constant 0 : i32
      %dma_wait3A_620 = tpu.memref_slice %arg5[%dma_wait3A_617, %dma_wait3A_618, %dma_wait3A_619] : memref<4x2x128xi32, #tpu.memory_space<vmem>> -> memref<1x2x128xi32, #tpu.memory_space<vmem>>
      %dma_wait3A_621 = tpu.memref_squeeze %dma_wait3A_620 : memref<1x2x128xi32, #tpu.memory_space<vmem>> -> memref<2x128xi32, #tpu.memory_space<vmem>>
      %dma_wait3A_622 = arith.constant 0 : i32
      %dma_wait3A_623 = arith.constant 0 : i32
      %dma_wait3A_624 = tpu.memref_slice %arg3[%add3A_616, %dma_wait3A_622, %dma_wait3A_623] : memref<2560x2x128xi32, #tpu.memory_space<hbm>> -> memref<1x2x128xi32, #tpu.memory_space<hbm>>
      %dma_wait3A_625 = tpu.memref_squeeze %dma_wait3A_624 : memref<1x2x128xi32, #tpu.memory_space<hbm>> -> memref<2x128xi32, #tpu.memory_space<hbm>>
      %dma_wait3A_626 = arith.constant 0 : i32
      %dma_wait3A_627 = arith.constant 0 : i32
      %dma_wait3A_628 = tpu.memref_slice %arg5[%dma_wait3A_617, %dma_wait3A_626, %dma_wait3A_627] : memref<4x2x128xi32, #tpu.memory_space<vmem>> -> memref<1x2x128xi32, #tpu.memory_space<vmem>>
      %dma_wait3A_629 = tpu.memref_squeeze %dma_wait3A_628 : memref<1x2x128xi32, #tpu.memory_space<vmem>> -> memref<2x128xi32, #tpu.memory_space<vmem>>
      %dma_wait3A_630 = arith.constant 0 : i32
      %dma_wait3A_631 = arith.constant 0 : i32
      %dma_wait3A_632 = tpu.memref_slice %arg3[%add3A_616, %dma_wait3A_630, %dma_wait3A_631] : memref<2560x2x128xi32, #tpu.memory_space<hbm>> -> memref<1x2x128xi32, #tpu.memory_space<hbm>>
      %dma_wait3A_633 = tpu.memref_squeeze %dma_wait3A_632 : memref<1x2x128xi32, #tpu.memory_space<hbm>> -> memref<2x128xi32, #tpu.memory_space<hbm>>
      tpu.wait_dma2 semaphore(%arg11 : memref<!tpu.dma_semaphore, #tpu.memory_space<semaphore_mem>>) src(%dma_wait3A_633 : memref<2x128xi32, #tpu.memory_space<hbm>>) dst(%dma_wait3A_629 : memref<2x128xi32, #tpu.memory_space<vmem>>)
      %dma_start3A_634 = arith.constant 1 : i32
      %dma_start3A_635 = arith.constant 0 : i32
      %dma_start3A_636 = arith.constant 1 : i32
      %dma_start3A_637 = arith.constant 0 : i32
      %dma_start3A_638 = arith.constant 0 : i32
      %dma_start3A_639 = tpu.memref_slice %arg6[%dma_start3A_636, %dma_start3A_637, %dma_start3A_638] : memref<2x128x128xf32, #tpu.memory_space<vmem>> -> memref<1x128x128xf32, #tpu.memory_space<vmem>>
      %dma_start3A_640 = tpu.memref_squeeze %dma_start3A_639 : memref<1x128x128xf32, #tpu.memory_space<vmem>> -> memref<128x128xf32, #tpu.memory_space<vmem>>
      %dma_start3A_641 = arith.constant 0 : i32
      %dma_start3A_642 = tpu.memref_slice %arg5[%dma_start3A_634, %dma_start3A_635, %dma_start3A_641] : memref<4x2x128xi32, #tpu.memory_space<vmem>> -> memref<1x1x128xi32, #tpu.memory_space<vmem>>
      %dma_start3A_643 = tpu.memref_squeeze %dma_start3A_642 : memref<1x1x128xi32, #tpu.memory_space<vmem>> -> memref<128xi32, #tpu.memory_space<vmem>>
      %dma_start3A_644 = arith.constant 0 : i32
      %dma_start3A_645 = arith.constant 0 : i32
      %dma_start3A_646 = tpu.memref_slice %arg2[%dma_start3A_644, %dma_start3A_645] : memref<10000x128xf32, #tpu.memory_space<hbm>> -> memref<10000x128xf32, #tpu.memory_space<hbm>>
      tpu.enqueue_indirect_dma source(%dma_start3A_646 : memref<10000x128xf32, #tpu.memory_space<hbm>>) target(%dma_start3A_640 : memref<128x128xf32, #tpu.memory_space<vmem>>) offsets(%dma_start3A_643 : memref<128xi32, #tpu.memory_space<vmem>>) semaphore(%arg9 : memref<!tpu.dma_semaphore, #tpu.memory_space<semaphore_mem>>)
    }
    %sub3A_203 = arith.constant 4 : i32
    %sub3A_204 = arith.subi %select_n3A, %sub3A_203 : i32
    %add3A_205 = arith.constant 0 : i32
    %add3A_206 = arith.addi %sub3A_204, %add3A_205 : i32
    %dma_wait3A_207 = arith.constant 0 : i32
    %dma_wait3A_208 = arith.constant 0 : i32
    %dma_wait3A_209 = arith.constant 0 : i32
    %dma_wait3A_210 = arith.constant 0 : i32
    %dma_wait3A_211 = arith.constant 0 : i32
    %dma_wait3A_212 = tpu.memref_slice %arg6[%dma_wait3A_209, %dma_wait3A_210, %dma_wait3A_211] : memref<2x128x128xf32, #tpu.memory_space<vmem>> -> memref<1x128x128xf32, #tpu.memory_space<vmem>>
    %dma_wait3A_213 = tpu.memref_squeeze %dma_wait3A_212 : memref<1x128x128xf32, #tpu.memory_space<vmem>> -> memref<128x128xf32, #tpu.memory_space<vmem>>
    %dma_wait3A_214 = arith.constant 0 : i32
    %dma_wait3A_215 = tpu.memref_slice %arg5[%dma_wait3A_207, %dma_wait3A_208, %dma_wait3A_214] : memref<4x2x128xi32, #tpu.memory_space<vmem>> -> memref<1x1x128xi32, #tpu.memory_space<vmem>>
    %dma_wait3A_216 = tpu.memref_squeeze %dma_wait3A_215 : memref<1x1x128xi32, #tpu.memory_space<vmem>> -> memref<128xi32, #tpu.memory_space<vmem>>
    %dma_wait3A_217 = arith.constant 0 : i32
    %dma_wait3A_218 = arith.constant 0 : i32
    %dma_wait3A_219 = tpu.memref_slice %arg2[%dma_wait3A_217, %dma_wait3A_218] : memref<10000x128xf32, #tpu.memory_space<hbm>> -> memref<10000x128xf32, #tpu.memory_space<hbm>>
    tpu.wait_indirect_dma semaphore(%arg8 : memref<!tpu.dma_semaphore, #tpu.memory_space<semaphore_mem>>) src(%dma_wait3A_219 : memref<10000x128xf32, #tpu.memory_space<hbm>>) dst(%dma_wait3A_213 : memref<128x128xf32, #tpu.memory_space<vmem>>)
    %run_scoped3A_220 = arith.constant 0 : i32
    %run_scoped3A_221 = arith.constant 0 : i32
    %run_scoped3A_222 = arith.constant 1 : i32
    "tpu.region"() ({
      %run_scoped3A_354 = tpu.sem_alloc : memref<!tpu.dma_semaphore, #tpu.memory_space<semaphore_mem>>
      %dma_start3A_355 = arith.constant 0 : i32
      %dma_start3A_356 = arith.constant 0 : i32
      %dma_start3A_357 = tpu.memref_slice %arg6[%run_scoped3A_220, %dma_start3A_355, %dma_start3A_356] : memref<2x128x128xf32, #tpu.memory_space<vmem>> -> memref<1x128x128xf32, #tpu.memory_space<vmem>>
      %dma_start3A_358 = tpu.memref_squeeze %dma_start3A_357 : memref<1x128x128xf32, #tpu.memory_space<vmem>> -> memref<128x128xf32, #tpu.memory_space<vmem>>
      %dma_start3A_359 = arith.constant 0 : i32
      %dma_start3A_360 = tpu.memref_slice %arg5[%run_scoped3A_221, %run_scoped3A_222, %dma_start3A_359] : memref<4x2x128xi32, #tpu.memory_space<vmem>> -> memref<1x1x128xi32, #tpu.memory_space<vmem>>
      %dma_start3A_361 = tpu.memref_squeeze %dma_start3A_360 : memref<1x1x128xi32, #tpu.memory_space<vmem>> -> memref<128xi32, #tpu.memory_space<vmem>>
      %dma_start3A_362 = arith.constant 0 : i32
      %dma_start3A_363 = arith.constant 0 : i32
      %dma_start3A_364 = tpu.memref_slice %arg7[%dma_start3A_362, %dma_start3A_363] : memref<10240x128xf32, #tpu.memory_space<vmem_shared>> -> memref<10240x128xf32, #tpu.memory_space<vmem_shared>>
      tpu.enqueue_indirect_dma source(%dma_start3A_358 : memref<128x128xf32, #tpu.memory_space<vmem>>) target(%dma_start3A_364 : memref<10240x128xf32, #tpu.memory_space<vmem_shared>>) offsets(%dma_start3A_361 : memref<128xi32, #tpu.memory_space<vmem>>) semaphore(%run_scoped3A_354 : memref<!tpu.dma_semaphore, #tpu.memory_space<semaphore_mem>>) {add = true}
      %dma_wait3A_365 = arith.constant 0 : i32
      %dma_wait3A_366 = arith.constant 0 : i32
      %dma_wait3A_367 = tpu.memref_slice %arg6[%run_scoped3A_220, %dma_wait3A_365, %dma_wait3A_366] : memref<2x128x128xf32, #tpu.memory_space<vmem>> -> memref<1x128x128xf32, #tpu.memory_space<vmem>>
      %dma_wait3A_368 = tpu.memref_squeeze %dma_wait3A_367 : memref<1x128x128xf32, #tpu.memory_space<vmem>> -> memref<128x128xf32, #tpu.memory_space<vmem>>
      %dma_wait3A_369 = arith.constant 0 : i32
      %dma_wait3A_370 = tpu.memref_slice %arg5[%run_scoped3A_221, %run_scoped3A_222, %dma_wait3A_369] : memref<4x2x128xi32, #tpu.memory_space<vmem>> -> memref<1x1x128xi32, #tpu.memory_space<vmem>>
      %dma_wait3A_371 = tpu.memref_squeeze %dma_wait3A_370 : memref<1x1x128xi32, #tpu.memory_space<vmem>> -> memref<128xi32, #tpu.memory_space<vmem>>
      %dma_wait3A_372 = arith.constant 0 : i32
      %dma_wait3A_373 = arith.constant 0 : i32
      %dma_wait3A_374 = tpu.memref_slice %arg7[%dma_wait3A_372, %dma_wait3A_373] : memref<10240x128xf32, #tpu.memory_space<vmem_shared>> -> memref<10240x128xf32, #tpu.memory_space<vmem_shared>>
      tpu.wait_indirect_dma semaphore(%run_scoped3A_354 : memref<!tpu.dma_semaphore, #tpu.memory_space<semaphore_mem>>) src(%dma_wait3A_368 : memref<128x128xf32, #tpu.memory_space<vmem>>) dst(%dma_wait3A_374 : memref<10240x128xf32, #tpu.memory_space<vmem_shared>>)
      tpu.yield
    }) : () -> ()
    %add3A_223 = arith.addi %select_n3A_6, %add3A_206 : i32
    %add3A_224 = arith.constant 2 : i32
    %add3A_225 = arith.addi %add3A_223, %add3A_224 : i32
    %dma_wait3A_226 = arith.constant 2 : i32
    %dma_wait3A_227 = arith.constant 0 : i32
    %dma_wait3A_228 = arith.constant 0 : i32
    %dma_wait3A_229 = tpu.memref_slice %arg5[%dma_wait3A_226, %dma_wait3A_227, %dma_wait3A_228] : memref<4x2x128xi32, #tpu.memory_space<vmem>> -> memref<1x2x128xi32, #tpu.memory_space<vmem>>
    %dma_wait3A_230 = tpu.memref_squeeze %dma_wait3A_229 : memref<1x2x128xi32, #tpu.memory_space<vmem>> -> memref<2x128xi32, #tpu.memory_space<vmem>>
    %dma_wait3A_231 = arith.constant 0 : i32
    %dma_wait3A_232 = arith.constant 0 : i32
    %dma_wait3A_233 = tpu.memref_slice %arg3[%add3A_225, %dma_wait3A_231, %dma_wait3A_232] : memref<2560x2x128xi32, #tpu.memory_space<hbm>> -> memref<1x2x128xi32, #tpu.memory_space<hbm>>
    %dma_wait3A_234 = tpu.memref_squeeze %dma_wait3A_233 : memref<1x2x128xi32, #tpu.memory_space<hbm>> -> memref<2x128xi32, #tpu.memory_space<hbm>>
    %dma_wait3A_235 = arith.constant 0 : i32
    %dma_wait3A_236 = arith.constant 0 : i32
    %dma_wait3A_237 = tpu.memref_slice %arg5[%dma_wait3A_226, %dma_wait3A_235, %dma_wait3A_236] : memref<4x2x128xi32, #tpu.memory_space<vmem>> -> memref<1x2x128xi32, #tpu.memory_space<vmem>>
    %dma_wait3A_238 = tpu.memref_squeeze %dma_wait3A_237 : memref<1x2x128xi32, #tpu.memory_space<vmem>> -> memref<2x128xi32, #tpu.memory_space<vmem>>
    %dma_wait3A_239 = arith.constant 0 : i32
    %dma_wait3A_240 = arith.constant 0 : i32
    %dma_wait3A_241 = tpu.memref_slice %arg3[%add3A_225, %dma_wait3A_239, %dma_wait3A_240] : memref<2560x2x128xi32, #tpu.memory_space<hbm>> -> memref<1x2x128xi32, #tpu.memory_space<hbm>>
    %dma_wait3A_242 = tpu.memref_squeeze %dma_wait3A_241 : memref<1x2x128xi32, #tpu.memory_space<hbm>> -> memref<2x128xi32, #tpu.memory_space<hbm>>
    tpu.wait_dma2 semaphore(%arg12 : memref<!tpu.dma_semaphore, #tpu.memory_space<semaphore_mem>>) src(%dma_wait3A_242 : memref<2x128xi32, #tpu.memory_space<hbm>>) dst(%dma_wait3A_238 : memref<2x128xi32, #tpu.memory_space<vmem>>)
    %dma_start3A_243 = arith.constant 2 : i32
    %dma_start3A_244 = arith.constant 0 : i32
    %dma_start3A_245 = arith.constant 0 : i32
    %dma_start3A_246 = arith.constant 0 : i32
    %dma_start3A_247 = arith.constant 0 : i32
    %dma_start3A_248 = tpu.memref_slice %arg6[%dma_start3A_245, %dma_start3A_246, %dma_start3A_247] : memref<2x128x128xf32, #tpu.memory_space<vmem>> -> memref<1x128x128xf32, #tpu.memory_space<vmem>>
    %dma_start3A_249 = tpu.memref_squeeze %dma_start3A_248 : memref<1x128x128xf32, #tpu.memory_space<vmem>> -> memref<128x128xf32, #tpu.memory_space<vmem>>
    %dma_start3A_250 = arith.constant 0 : i32
    %dma_start3A_251 = tpu.memref_slice %arg5[%dma_start3A_243, %dma_start3A_244, %dma_start3A_250] : memref<4x2x128xi32, #tpu.memory_space<vmem>> -> memref<1x1x128xi32, #tpu.memory_space<vmem>>
    %dma_start3A_252 = tpu.memref_squeeze %dma_start3A_251 : memref<1x1x128xi32, #tpu.memory_space<vmem>> -> memref<128xi32, #tpu.memory_space<vmem>>
    %dma_start3A_253 = arith.constant 0 : i32
    %dma_start3A_254 = arith.constant 0 : i32
    %dma_start3A_255 = tpu.memref_slice %arg2[%dma_start3A_253, %dma_start3A_254] : memref<10000x128xf32, #tpu.memory_space<hbm>> -> memref<10000x128xf32, #tpu.memory_space<hbm>>
    tpu.enqueue_indirect_dma source(%dma_start3A_255 : memref<10000x128xf32, #tpu.memory_space<hbm>>) target(%dma_start3A_249 : memref<128x128xf32, #tpu.memory_space<vmem>>) offsets(%dma_start3A_252 : memref<128xi32, #tpu.memory_space<vmem>>) semaphore(%arg8 : memref<!tpu.dma_semaphore, #tpu.memory_space<semaphore_mem>>)
    %sub3A_256 = arith.constant 4 : i32
    %sub3A_257 = arith.subi %select_n3A, %sub3A_256 : i32
    %add3A_258 = arith.constant 1 : i32
    %add3A_259 = arith.addi %sub3A_257, %add3A_258 : i32
    %dma_wait3A_260 = arith.constant 1 : i32
    %dma_wait3A_261 = arith.constant 0 : i32
    %dma_wait3A_262 = arith.constant 1 : i32
    %dma_wait3A_263 = arith.constant 0 : i32
    %dma_wait3A_264 = arith.constant 0 : i32
    %dma_wait3A_265 = tpu.memref_slice %arg6[%dma_wait3A_262, %dma_wait3A_263, %dma_wait3A_264] : memref<2x128x128xf32, #tpu.memory_space<vmem>> -> memref<1x128x128xf32, #tpu.memory_space<vmem>>
    %dma_wait3A_266 = tpu.memref_squeeze %dma_wait3A_265 : memref<1x128x128xf32, #tpu.memory_space<vmem>> -> memref<128x128xf32, #tpu.memory_space<vmem>>
    %dma_wait3A_267 = arith.constant 0 : i32
    %dma_wait3A_268 = tpu.memref_slice %arg5[%dma_wait3A_260, %dma_wait3A_261, %dma_wait3A_267] : memref<4x2x128xi32, #tpu.memory_space<vmem>> -> memref<1x1x128xi32, #tpu.memory_space<vmem>>
    %dma_wait3A_269 = tpu.memref_squeeze %dma_wait3A_268 : memref<1x1x128xi32, #tpu.memory_space<vmem>> -> memref<128xi32, #tpu.memory_space<vmem>>
    %dma_wait3A_270 = arith.constant 0 : i32
    %dma_wait3A_271 = arith.constant 0 : i32
    %dma_wait3A_272 = tpu.memref_slice %arg2[%dma_wait3A_270, %dma_wait3A_271] : memref<10000x128xf32, #tpu.memory_space<hbm>> -> memref<10000x128xf32, #tpu.memory_space<hbm>>
    tpu.wait_indirect_dma semaphore(%arg9 : memref<!tpu.dma_semaphore, #tpu.memory_space<semaphore_mem>>) src(%dma_wait3A_272 : memref<10000x128xf32, #tpu.memory_space<hbm>>) dst(%dma_wait3A_266 : memref<128x128xf32, #tpu.memory_space<vmem>>)
    %run_scoped3A_273 = arith.constant 1 : i32
    %run_scoped3A_274 = arith.constant 1 : i32
    %run_scoped3A_275 = arith.constant 1 : i32
    "tpu.region"() ({
      %run_scoped3A_354 = tpu.sem_alloc : memref<!tpu.dma_semaphore, #tpu.memory_space<semaphore_mem>>
      %dma_start3A_355 = arith.constant 0 : i32
      %dma_start3A_356 = arith.constant 0 : i32
      %dma_start3A_357 = tpu.memref_slice %arg6[%run_scoped3A_273, %dma_start3A_355, %dma_start3A_356] : memref<2x128x128xf32, #tpu.memory_space<vmem>> -> memref<1x128x128xf32, #tpu.memory_space<vmem>>
      %dma_start3A_358 = tpu.memref_squeeze %dma_start3A_357 : memref<1x128x128xf32, #tpu.memory_space<vmem>> -> memref<128x128xf32, #tpu.memory_space<vmem>>
      %dma_start3A_359 = arith.constant 0 : i32
      %dma_start3A_360 = tpu.memref_slice %arg5[%run_scoped3A_274, %run_scoped3A_275, %dma_start3A_359] : memref<4x2x128xi32, #tpu.memory_space<vmem>> -> memref<1x1x128xi32, #tpu.memory_space<vmem>>
      %dma_start3A_361 = tpu.memref_squeeze %dma_start3A_360 : memref<1x1x128xi32, #tpu.memory_space<vmem>> -> memref<128xi32, #tpu.memory_space<vmem>>
      %dma_start3A_362 = arith.constant 0 : i32
      %dma_start3A_363 = arith.constant 0 : i32
      %dma_start3A_364 = tpu.memref_slice %arg7[%dma_start3A_362, %dma_start3A_363] : memref<10240x128xf32, #tpu.memory_space<vmem_shared>> -> memref<10240x128xf32, #tpu.memory_space<vmem_shared>>
      tpu.enqueue_indirect_dma source(%dma_start3A_358 : memref<128x128xf32, #tpu.memory_space<vmem>>) target(%dma_start3A_364 : memref<10240x128xf32, #tpu.memory_space<vmem_shared>>) offsets(%dma_start3A_361 : memref<128xi32, #tpu.memory_space<vmem>>) semaphore(%run_scoped3A_354 : memref<!tpu.dma_semaphore, #tpu.memory_space<semaphore_mem>>) {add = true}
      %dma_wait3A_365 = arith.constant 0 : i32
      %dma_wait3A_366 = arith.constant 0 : i32
      %dma_wait3A_367 = tpu.memref_slice %arg6[%run_scoped3A_273, %dma_wait3A_365, %dma_wait3A_366] : memref<2x128x128xf32, #tpu.memory_space<vmem>> -> memref<1x128x128xf32, #tpu.memory_space<vmem>>
      %dma_wait3A_368 = tpu.memref_squeeze %dma_wait3A_367 : memref<1x128x128xf32, #tpu.memory_space<vmem>> -> memref<128x128xf32, #tpu.memory_space<vmem>>
      %dma_wait3A_369 = arith.constant 0 : i32
      %dma_wait3A_370 = tpu.memref_slice %arg5[%run_scoped3A_274, %run_scoped3A_275, %dma_wait3A_369] : memref<4x2x128xi32, #tpu.memory_space<vmem>> -> memref<1x1x128xi32, #tpu.memory_space<vmem>>
      %dma_wait3A_371 = tpu.memref_squeeze %dma_wait3A_370 : memref<1x1x128xi32, #tpu.memory_space<vmem>> -> memref<128xi32, #tpu.memory_space<vmem>>
      %dma_wait3A_372 = arith.constant 0 : i32
      %dma_wait3A_373 = arith.constant 0 : i32
      %dma_wait3A_374 = tpu.memref_slice %arg7[%dma_wait3A_372, %dma_wait3A_373] : memref<10240x128xf32, #tpu.memory_space<vmem_shared>> -> memref<10240x128xf32, #tpu.memory_space<vmem_shared>>
      tpu.wait_indirect_dma semaphore(%run_scoped3A_354 : memref<!tpu.dma_semaphore, #tpu.memory_space<semaphore_mem>>) src(%dma_wait3A_368 : memref<128x128xf32, #tpu.memory_space<vmem>>) dst(%dma_wait3A_374 : memref<10240x128xf32, #tpu.memory_space<vmem_shared>>)
      tpu.yield
    }) : () -> ()
    %add3A_276 = arith.addi %select_n3A_6, %add3A_259 : i32
    %add3A_277 = arith.constant 2 : i32
    %add3A_278 = arith.addi %add3A_276, %add3A_277 : i32
    %dma_wait3A_279 = arith.constant 3 : i32
    %dma_wait3A_280 = arith.constant 0 : i32
    %dma_wait3A_281 = arith.constant 0 : i32
    %dma_wait3A_282 = tpu.memref_slice %arg5[%dma_wait3A_279, %dma_wait3A_280, %dma_wait3A_281] : memref<4x2x128xi32, #tpu.memory_space<vmem>> -> memref<1x2x128xi32, #tpu.memory_space<vmem>>
    %dma_wait3A_283 = tpu.memref_squeeze %dma_wait3A_282 : memref<1x2x128xi32, #tpu.memory_space<vmem>> -> memref<2x128xi32, #tpu.memory_space<vmem>>
    %dma_wait3A_284 = arith.constant 0 : i32
    %dma_wait3A_285 = arith.constant 0 : i32
    %dma_wait3A_286 = tpu.memref_slice %arg3[%add3A_278, %dma_wait3A_284, %dma_wait3A_285] : memref<2560x2x128xi32, #tpu.memory_space<hbm>> -> memref<1x2x128xi32, #tpu.memory_space<hbm>>
    %dma_wait3A_287 = tpu.memref_squeeze %dma_wait3A_286 : memref<1x2x128xi32, #tpu.memory_space<hbm>> -> memref<2x128xi32, #tpu.memory_space<hbm>>
    %dma_wait3A_288 = arith.constant 0 : i32
    %dma_wait3A_289 = arith.constant 0 : i32
    %dma_wait3A_290 = tpu.memref_slice %arg5[%dma_wait3A_279, %dma_wait3A_288, %dma_wait3A_289] : memref<4x2x128xi32, #tpu.memory_space<vmem>> -> memref<1x2x128xi32, #tpu.memory_space<vmem>>
    %dma_wait3A_291 = tpu.memref_squeeze %dma_wait3A_290 : memref<1x2x128xi32, #tpu.memory_space<vmem>> -> memref<2x128xi32, #tpu.memory_space<vmem>>
    %dma_wait3A_292 = arith.constant 0 : i32
    %dma_wait3A_293 = arith.constant 0 : i32
    %dma_wait3A_294 = tpu.memref_slice %arg3[%add3A_278, %dma_wait3A_292, %dma_wait3A_293] : memref<2560x2x128xi32, #tpu.memory_space<hbm>> -> memref<1x2x128xi32, #tpu.memory_space<hbm>>
    %dma_wait3A_295 = tpu.memref_squeeze %dma_wait3A_294 : memref<1x2x128xi32, #tpu.memory_space<hbm>> -> memref<2x128xi32, #tpu.memory_space<hbm>>
    tpu.wait_dma2 semaphore(%arg13 : memref<!tpu.dma_semaphore, #tpu.memory_space<semaphore_mem>>) src(%dma_wait3A_295 : memref<2x128xi32, #tpu.memory_space<hbm>>) dst(%dma_wait3A_291 : memref<2x128xi32, #tpu.memory_space<vmem>>)
    %dma_start3A_296 = arith.constant 3 : i32
    %dma_start3A_297 = arith.constant 0 : i32
    %dma_start3A_298 = arith.constant 1 : i32
    %dma_start3A_299 = arith.constant 0 : i32
    %dma_start3A_300 = arith.constant 0 : i32
    %dma_start3A_301 = tpu.memref_slice %arg6[%dma_start3A_298, %dma_start3A_299, %dma_start3A_300] : memref<2x128x128xf32, #tpu.memory_space<vmem>> -> memref<1x128x128xf32, #tpu.memory_space<vmem>>
    %dma_start3A_302 = tpu.memref_squeeze %dma_start3A_301 : memref<1x128x128xf32, #tpu.memory_space<vmem>> -> memref<128x128xf32, #tpu.memory_space<vmem>>
    %dma_start3A_303 = arith.constant 0 : i32
    %dma_start3A_304 = tpu.memref_slice %arg5[%dma_start3A_296, %dma_start3A_297, %dma_start3A_303] : memref<4x2x128xi32, #tpu.memory_space<vmem>> -> memref<1x1x128xi32, #tpu.memory_space<vmem>>
    %dma_start3A_305 = tpu.memref_squeeze %dma_start3A_304 : memref<1x1x128xi32, #tpu.memory_space<vmem>> -> memref<128xi32, #tpu.memory_space<vmem>>
    %dma_start3A_306 = arith.constant 0 : i32
    %dma_start3A_307 = arith.constant 0 : i32
    %dma_start3A_308 = tpu.memref_slice %arg2[%dma_start3A_306, %dma_start3A_307] : memref<10000x128xf32, #tpu.memory_space<hbm>> -> memref<10000x128xf32, #tpu.memory_space<hbm>>
    tpu.enqueue_indirect_dma source(%dma_start3A_308 : memref<10000x128xf32, #tpu.memory_space<hbm>>) target(%dma_start3A_302 : memref<128x128xf32, #tpu.memory_space<vmem>>) offsets(%dma_start3A_305 : memref<128xi32, #tpu.memory_space<vmem>>) semaphore(%arg9 : memref<!tpu.dma_semaphore, #tpu.memory_space<semaphore_mem>>)
    %sub3A_309 = arith.constant 4 : i32
    %sub3A_310 = arith.subi %select_n3A, %sub3A_309 : i32
    %add3A_311 = arith.constant 2 : i32
    %add3A_312 = arith.addi %sub3A_310, %add3A_311 : i32
    %dma_wait3A_313 = arith.constant 2 : i32
    %dma_wait3A_314 = arith.constant 0 : i32
    %dma_wait3A_315 = arith.constant 0 : i32
    %dma_wait3A_316 = arith.constant 0 : i32
    %dma_wait3A_317 = arith.constant 0 : i32
    %dma_wait3A_318 = tpu.memref_slice %arg6[%dma_wait3A_315, %dma_wait3A_316, %dma_wait3A_317] : memref<2x128x128xf32, #tpu.memory_space<vmem>> -> memref<1x128x128xf32, #tpu.memory_space<vmem>>
    %dma_wait3A_319 = tpu.memref_squeeze %dma_wait3A_318 : memref<1x128x128xf32, #tpu.memory_space<vmem>> -> memref<128x128xf32, #tpu.memory_space<vmem>>
    %dma_wait3A_320 = arith.constant 0 : i32
    %dma_wait3A_321 = tpu.memref_slice %arg5[%dma_wait3A_313, %dma_wait3A_314, %dma_wait3A_320] : memref<4x2x128xi32, #tpu.memory_space<vmem>> -> memref<1x1x128xi32, #tpu.memory_space<vmem>>
    %dma_wait3A_322 = tpu.memref_squeeze %dma_wait3A_321 : memref<1x1x128xi32, #tpu.memory_space<vmem>> -> memref<128xi32, #tpu.memory_space<vmem>>
    %dma_wait3A_323 = arith.constant 0 : i32
    %dma_wait3A_324 = arith.constant 0 : i32
    %dma_wait3A_325 = tpu.memref_slice %arg2[%dma_wait3A_323, %dma_wait3A_324] : memref<10000x128xf32, #tpu.memory_space<hbm>> -> memref<10000x128xf32, #tpu.memory_space<hbm>>
    tpu.wait_indirect_dma semaphore(%arg8 : memref<!tpu.dma_semaphore, #tpu.memory_space<semaphore_mem>>) src(%dma_wait3A_325 : memref<10000x128xf32, #tpu.memory_space<hbm>>) dst(%dma_wait3A_319 : memref<128x128xf32, #tpu.memory_space<vmem>>)
    %run_scoped3A_326 = arith.constant 0 : i32
    %run_scoped3A_327 = arith.constant 2 : i32
    %run_scoped3A_328 = arith.constant 1 : i32
    "tpu.region"() ({
      %run_scoped3A_354 = tpu.sem_alloc : memref<!tpu.dma_semaphore, #tpu.memory_space<semaphore_mem>>
      %dma_start3A_355 = arith.constant 0 : i32
      %dma_start3A_356 = arith.constant 0 : i32
      %dma_start3A_357 = tpu.memref_slice %arg6[%run_scoped3A_326, %dma_start3A_355, %dma_start3A_356] : memref<2x128x128xf32, #tpu.memory_space<vmem>> -> memref<1x128x128xf32, #tpu.memory_space<vmem>>
      %dma_start3A_358 = tpu.memref_squeeze %dma_start3A_357 : memref<1x128x128xf32, #tpu.memory_space<vmem>> -> memref<128x128xf32, #tpu.memory_space<vmem>>
      %dma_start3A_359 = arith.constant 0 : i32
      %dma_start3A_360 = tpu.memref_slice %arg5[%run_scoped3A_327, %run_scoped3A_328, %dma_start3A_359] : memref<4x2x128xi32, #tpu.memory_space<vmem>> -> memref<1x1x128xi32, #tpu.memory_space<vmem>>
      %dma_start3A_361 = tpu.memref_squeeze %dma_start3A_360 : memref<1x1x128xi32, #tpu.memory_space<vmem>> -> memref<128xi32, #tpu.memory_space<vmem>>
      %dma_start3A_362 = arith.constant 0 : i32
      %dma_start3A_363 = arith.constant 0 : i32
      %dma_start3A_364 = tpu.memref_slice %arg7[%dma_start3A_362, %dma_start3A_363] : memref<10240x128xf32, #tpu.memory_space<vmem_shared>> -> memref<10240x128xf32, #tpu.memory_space<vmem_shared>>
      tpu.enqueue_indirect_dma source(%dma_start3A_358 : memref<128x128xf32, #tpu.memory_space<vmem>>) target(%dma_start3A_364 : memref<10240x128xf32, #tpu.memory_space<vmem_shared>>) offsets(%dma_start3A_361 : memref<128xi32, #tpu.memory_space<vmem>>) semaphore(%run_scoped3A_354 : memref<!tpu.dma_semaphore, #tpu.memory_space<semaphore_mem>>) {add = true}
      %dma_wait3A_365 = arith.constant 0 : i32
      %dma_wait3A_366 = arith.constant 0 : i32
      %dma_wait3A_367 = tpu.memref_slice %arg6[%run_scoped3A_326, %dma_wait3A_365, %dma_wait3A_366] : memref<2x128x128xf32, #tpu.memory_space<vmem>> -> memref<1x128x128xf32, #tpu.memory_space<vmem>>
      %dma_wait3A_368 = tpu.memref_squeeze %dma_wait3A_367 : memref<1x128x128xf32, #tpu.memory_space<vmem>> -> memref<128x128xf32, #tpu.memory_space<vmem>>
      %dma_wait3A_369 = arith.constant 0 : i32
      %dma_wait3A_370 = tpu.memref_slice %arg5[%run_scoped3A_327, %run_scoped3A_328, %dma_wait3A_369] : memref<4x2x128xi32, #tpu.memory_space<vmem>> -> memref<1x1x128xi32, #tpu.memory_space<vmem>>
      %dma_wait3A_371 = tpu.memref_squeeze %dma_wait3A_370 : memref<1x1x128xi32, #tpu.memory_space<vmem>> -> memref<128xi32, #tpu.memory_space<vmem>>
      %dma_wait3A_372 = arith.constant 0 : i32
      %dma_wait3A_373 = arith.constant 0 : i32
      %dma_wait3A_374 = tpu.memref_slice %arg7[%dma_wait3A_372, %dma_wait3A_373] : memref<10240x128xf32, #tpu.memory_space<vmem_shared>> -> memref<10240x128xf32, #tpu.memory_space<vmem_shared>>
      tpu.wait_indirect_dma semaphore(%run_scoped3A_354 : memref<!tpu.dma_semaphore, #tpu.memory_space<semaphore_mem>>) src(%dma_wait3A_368 : memref<128x128xf32, #tpu.memory_space<vmem>>) dst(%dma_wait3A_374 : memref<10240x128xf32, #tpu.memory_space<vmem_shared>>)
      tpu.yield
    }) : () -> ()
    %sub3A_329 = arith.constant 4 : i32
    %sub3A_330 = arith.subi %select_n3A, %sub3A_329 : i32
    %add3A_331 = arith.constant 3 : i32
    %add3A_332 = arith.addi %sub3A_330, %add3A_331 : i32
    %dma_wait3A_333 = arith.constant 3 : i32
    %dma_wait3A_334 = arith.constant 0 : i32
    %dma_wait3A_335 = arith.constant 1 : i32
    %dma_wait3A_336 = arith.constant 0 : i32
    %dma_wait3A_337 = arith.constant 0 : i32
    %dma_wait3A_338 = tpu.memref_slice %arg6[%dma_wait3A_335, %dma_wait3A_336, %dma_wait3A_337] : memref<2x128x128xf32, #tpu.memory_space<vmem>> -> memref<1x128x128xf32, #tpu.memory_space<vmem>>
    %dma_wait3A_339 = tpu.memref_squeeze %dma_wait3A_338 : memref<1x128x128xf32, #tpu.memory_space<vmem>> -> memref<128x128xf32, #tpu.memory_space<vmem>>
    %dma_wait3A_340 = arith.constant 0 : i32
    %dma_wait3A_341 = tpu.memref_slice %arg5[%dma_wait3A_333, %dma_wait3A_334, %dma_wait3A_340] : memref<4x2x128xi32, #tpu.memory_space<vmem>> -> memref<1x1x128xi32, #tpu.memory_space<vmem>>
    %dma_wait3A_342 = tpu.memref_squeeze %dma_wait3A_341 : memref<1x1x128xi32, #tpu.memory_space<vmem>> -> memref<128xi32, #tpu.memory_space<vmem>>
    %dma_wait3A_343 = arith.constant 0 : i32
    %dma_wait3A_344 = arith.constant 0 : i32
    %dma_wait3A_345 = tpu.memref_slice %arg2[%dma_wait3A_343, %dma_wait3A_344] : memref<10000x128xf32, #tpu.memory_space<hbm>> -> memref<10000x128xf32, #tpu.memory_space<hbm>>
    tpu.wait_indirect_dma semaphore(%arg9 : memref<!tpu.dma_semaphore, #tpu.memory_space<semaphore_mem>>) src(%dma_wait3A_345 : memref<10000x128xf32, #tpu.memory_space<hbm>>) dst(%dma_wait3A_339 : memref<128x128xf32, #tpu.memory_space<vmem>>)
    %run_scoped3A_346 = arith.constant 1 : i32
    %run_scoped3A_347 = arith.constant 3 : i32
    %run_scoped3A_348 = arith.constant 1 : i32
    "tpu.region"() ({
      %run_scoped3A_354 = tpu.sem_alloc : memref<!tpu.dma_semaphore, #tpu.memory_space<semaphore_mem>>
      %dma_start3A_355 = arith.constant 0 : i32
      %dma_start3A_356 = arith.constant 0 : i32
      %dma_start3A_357 = tpu.memref_slice %arg6[%run_scoped3A_346, %dma_start3A_355, %dma_start3A_356] : memref<2x128x128xf32, #tpu.memory_space<vmem>> -> memref<1x128x128xf32, #tpu.memory_space<vmem>>
      %dma_start3A_358 = tpu.memref_squeeze %dma_start3A_357 : memref<1x128x128xf32, #tpu.memory_space<vmem>> -> memref<128x128xf32, #tpu.memory_space<vmem>>
      %dma_start3A_359 = arith.constant 0 : i32
      %dma_start3A_360 = tpu.memref_slice %arg5[%run_scoped3A_347, %run_scoped3A_348, %dma_start3A_359] : memref<4x2x128xi32, #tpu.memory_space<vmem>> -> memref<1x1x128xi32, #tpu.memory_space<vmem>>
      %dma_start3A_361 = tpu.memref_squeeze %dma_start3A_360 : memref<1x1x128xi32, #tpu.memory_space<vmem>> -> memref<128xi32, #tpu.memory_space<vmem>>
      %dma_start3A_362 = arith.constant 0 : i32
      %dma_start3A_363 = arith.constant 0 : i32
      %dma_start3A_364 = tpu.memref_slice %arg7[%dma_start3A_362, %dma_start3A_363] : memref<10240x128xf32, #tpu.memory_space<vmem_shared>> -> memref<10240x128xf32, #tpu.memory_space<vmem_shared>>
      tpu.enqueue_indirect_dma source(%dma_start3A_358 : memref<128x128xf32, #tpu.memory_space<vmem>>) target(%dma_start3A_364 : memref<10240x128xf32, #tpu.memory_space<vmem_shared>>) offsets(%dma_start3A_361 : memref<128xi32, #tpu.memory_space<vmem>>) semaphore(%run_scoped3A_354 : memref<!tpu.dma_semaphore, #tpu.memory_space<semaphore_mem>>) {add = true}
      %dma_wait3A_365 = arith.constant 0 : i32
      %dma_wait3A_366 = arith.constant 0 : i32
      %dma_wait3A_367 = tpu.memref_slice %arg6[%run_scoped3A_346, %dma_wait3A_365, %dma_wait3A_366] : memref<2x128x128xf32, #tpu.memory_space<vmem>> -> memref<1x128x128xf32, #tpu.memory_space<vmem>>
      %dma_wait3A_368 = tpu.memref_squeeze %dma_wait3A_367 : memref<1x128x128xf32, #tpu.memory_space<vmem>> -> memref<128x128xf32, #tpu.memory_space<vmem>>
      %dma_wait3A_369 = arith.constant 0 : i32
      %dma_wait3A_370 = tpu.memref_slice %arg5[%run_scoped3A_347, %run_scoped3A_348, %dma_wait3A_369] : memref<4x2x128xi32, #tpu.memory_space<vmem>> -> memref<1x1x128xi32, #tpu.memory_space<vmem>>
      %dma_wait3A_371 = tpu.memref_squeeze %dma_wait3A_370 : memref<1x1x128xi32, #tpu.memory_space<vmem>> -> memref<128xi32, #tpu.memory_space<vmem>>
      %dma_wait3A_372 = arith.constant 0 : i32
      %dma_wait3A_373 = arith.constant 0 : i32
      %dma_wait3A_374 = tpu.memref_slice %arg7[%dma_wait3A_372, %dma_wait3A_373] : memref<10240x128xf32, #tpu.memory_space<vmem_shared>> -> memref<10240x128xf32, #tpu.memory_space<vmem_shared>>
      tpu.wait_indirect_dma semaphore(%run_scoped3A_354 : memref<!tpu.dma_semaphore, #tpu.memory_space<semaphore_mem>>) src(%dma_wait3A_368 : memref<128x128xf32, #tpu.memory_space<vmem>>) dst(%dma_wait3A_374 : memref<10240x128xf32, #tpu.memory_space<vmem_shared>>)
      tpu.yield
    }) : () -> ()
    %barrier3A_349 = arith.constant 0 : index
    tpu.barrier barrier_id(%barrier3A_349)
    %mul3A_350 = arith.constant 640 : i32
    %mul3A_351 = arith.muli %arg1, %mul3A_350 : i32
    %mul3A_352 = arith.constant 640 : i32
    %mul3A_353 = arith.muli %arg1, %mul3A_352 : i32
    "tpu.region"() ({
      %run_scoped3A_354 = tpu.sem_alloc : memref<!tpu.dma_semaphore, #tpu.memory_space<semaphore_mem>>
      %dma_start3A_355 = arith.constant 0 : i32
      %dma_start3A_356 = tpu.memref_slice %arg4[%arg0, %mul3A_353, %dma_start3A_355] : memref<2x10240x128xf32, #tpu.memory_space<hbm>> -> memref<1x640x128xf32, #tpu.memory_space<hbm>>
      %dma_start3A_357 = tpu.memref_squeeze %dma_start3A_356 : memref<1x640x128xf32, #tpu.memory_space<hbm>> -> memref<640x128xf32, #tpu.memory_space<hbm>>
      %dma_start3A_358 = arith.constant 0 : i32
      %dma_start3A_359 = tpu.memref_slice %arg7[%mul3A_351, %dma_start3A_358] : memref<10240x128xf32, #tpu.memory_space<vmem_shared>> -> memref<640x128xf32, #tpu.memory_space<vmem_shared>>
      tpu.enqueue_dma source(%dma_start3A_359 : memref<640x128xf32, #tpu.memory_space<vmem_shared>>) target(%dma_start3A_357 : memref<640x128xf32, #tpu.memory_space<hbm>>) target_semaphore(%run_scoped3A_354 : memref<!tpu.dma_semaphore, #tpu.memory_space<semaphore_mem>>)
      %dma_wait3A_360 = arith.constant 0 : i32
      %dma_wait3A_361 = tpu.memref_slice %arg4[%arg0, %mul3A_353, %dma_wait3A_360] : memref<2x10240x128xf32, #tpu.memory_space<hbm>> -> memref<1x640x128xf32, #tpu.memory_space<hbm>>
      %dma_wait3A_362 = tpu.memref_squeeze %dma_wait3A_361 : memref<1x640x128xf32, #tpu.memory_space<hbm>> -> memref<640x128xf32, #tpu.memory_space<hbm>>
      %dma_wait3A_363 = arith.constant 0 : i32
      %dma_wait3A_364 = tpu.memref_slice %arg7[%mul3A_351, %dma_wait3A_363] : memref<10240x128xf32, #tpu.memory_space<vmem_shared>> -> memref<640x128xf32, #tpu.memory_space<vmem_shared>>
      tpu.wait_dma2 semaphore(%run_scoped3A_354 : memref<!tpu.dma_semaphore, #tpu.memory_space<semaphore_mem>>) src(%dma_wait3A_364 : memref<640x128xf32, #tpu.memory_space<vmem_shared>>) dst(%dma_wait3A_362 : memref<640x128xf32, #tpu.memory_space<hbm>>)
      tpu.yield
    }) : () -> ()
    return
  }
}

module attributes {stable_mosaic.version = 14 : i64} {
  func.func @_mlp_block(%arg0: i32, %arg1: memref<1000x128xf32, #tpu.memory_space<vmem>>, %arg2: memref<1x1000x128xf32, #tpu.memory_space<vmem>>, %arg3: memref<1x1000x128xf32, #tpu.memory_space<vmem>>, %arg4: memref<128x128xf32, #tpu.memory_space<vmem>>, %arg5: memref<128x128xf32, #tpu.memory_space<vmem>>, %arg6: memref<128x128xf32, #tpu.memory_space<vmem>>, %arg7: memref<9x128xf32, #tpu.memory_space<vmem>>, %arg8: memref<1xf32, #tpu.memory_space<smem>>, %arg9: memref<1000x128xf32, #tpu.memory_space<vmem>>) attributes {dimension_semantics = [#tpu.dimension_semantics<arbitrary>], iteration_bounds = array<i64: 10>, scalar_prefetch = 0 : i64, scratch_operands = 0 : i64, tpu.core_type = #tpu.core_type<tc>, window_params = [{transform_indices = @transform_0, window_bounds = array<i64: 1000, 128>}, {transform_indices = @transform_1, window_bounds = array<i64: 1, 1000, 128>}, {transform_indices = @transform_2, window_bounds = array<i64: 1, 1000, 128>}, {pipeline_mode = #tpu.pipeline_mode<synchronous>, transform_indices = @transform_3, window_bounds = array<i64: 128, 128>}, {pipeline_mode = #tpu.pipeline_mode<synchronous>, transform_indices = @transform_4, window_bounds = array<i64: 128, 128>}, {pipeline_mode = #tpu.pipeline_mode<synchronous>, transform_indices = @transform_5, window_bounds = array<i64: 128, 128>}, {pipeline_mode = #tpu.pipeline_mode<synchronous>, transform_indices = @transform_6, window_bounds = array<i64: 9, 128>}, {transform_indices = @transform_7, window_bounds = array<i64: 1>}, {transform_indices = @transform_8, window_bounds = array<i64: 1000, 128>}]} {
    %get3A = arith.constant 0 : index
    %get3A_0 = arith.constant 0 : index
    %get3A_1 = vector.load %arg7[%get3A, %get3A_0] : memref<9x128xf32, #tpu.memory_space<vmem>>, vector<1x128xf32>
    %get3A_2 = arith.constant 1 : index
    %get3A_3 = arith.constant 0 : index
    %get3A_4 = vector.load %arg7[%get3A_2, %get3A_3] : memref<9x128xf32, #tpu.memory_space<vmem>>, vector<1x128xf32>
    %get3A_5 = arith.constant 2 : index
    %get3A_6 = arith.constant 0 : index
    %get3A_7 = vector.load %arg7[%get3A_5, %get3A_6] : memref<9x128xf32, #tpu.memory_space<vmem>>, vector<1x128xf32>
    %get3A_8 = arith.constant 3 : index
    %get3A_9 = arith.constant 0 : index
    %get3A_10 = vector.load %arg7[%get3A_8, %get3A_9] : memref<9x128xf32, #tpu.memory_space<vmem>>, vector<1x128xf32>
    %get3A_11 = arith.constant 4 : index
    %get3A_12 = arith.constant 0 : index
    %get3A_13 = vector.load %arg7[%get3A_11, %get3A_12] : memref<9x128xf32, #tpu.memory_space<vmem>>, vector<1x128xf32>
    %get3A_14 = arith.constant 5 : index
    %get3A_15 = arith.constant 0 : index
    %get3A_16 = vector.load %arg7[%get3A_14, %get3A_15] : memref<9x128xf32, #tpu.memory_space<vmem>>, vector<1x128xf32>
    %get3A_17 = arith.constant 6 : index
    %get3A_18 = arith.constant 0 : index
    %get3A_19 = vector.load %arg7[%get3A_17, %get3A_18] : memref<9x128xf32, #tpu.memory_space<vmem>>, vector<1x128xf32>
    %get3A_20 = arith.constant 7 : index
    %get3A_21 = arith.constant 0 : index
    %get3A_22 = vector.load %arg7[%get3A_20, %get3A_21] : memref<9x128xf32, #tpu.memory_space<vmem>>, vector<1x128xf32>
    %get3A_23 = arith.constant 8 : index
    %get3A_24 = arith.constant 0 : index
    %get3A_25 = vector.load %arg7[%get3A_23, %get3A_24] : memref<9x128xf32, #tpu.memory_space<vmem>>, vector<1x128xf32>
    %get3A_26 = arith.constant 0 : index
    %get3A_27 = memref.load %arg8[%get3A_26] : memref<1xf32, #tpu.memory_space<smem>>
    %add3A = arith.constant 1.000000e+00 : f32
    %add3A_28 = arith.addf %add3A, %get3A_27 : f32
    %get3A_29 = arith.constant 0 : index
    %get3A_30 = arith.constant 0 : index
    %get3A_31 = vector.load %arg1[%get3A_29, %get3A_30] : memref<1000x128xf32, #tpu.memory_space<vmem>>, vector<1000x128xf32>
    %mul3A = vector.broadcast %add3A_28 : f32 to vector<1000x128xf32>
    %mul3A_32 = arith.mulf %mul3A, %get3A_31 : vector<1000x128xf32>
    %get3A_33 = arith.constant 0 : index
    %get3A_34 = arith.constant 0 : index
    %get3A_35 = arith.constant 0 : index
    %get3A_36 = vector.load %arg2[%get3A_33, %get3A_34, %get3A_35] : memref<1x1000x128xf32, #tpu.memory_space<vmem>>, vector<1x1000x128xf32>
    %get3A_37 = vector.shape_cast %get3A_36 : vector<1x1000x128xf32> to vector<1000x128xf32>
    %add3A_38 = arith.addf %mul3A_32, %get3A_37 : vector<1000x128xf32>
    %get3A_39 = arith.constant 0 : index
    %get3A_40 = arith.constant 0 : index
    %get3A_41 = arith.constant 0 : index
    %get3A_42 = vector.load %arg3[%get3A_39, %get3A_40, %get3A_41] : memref<1x1000x128xf32, #tpu.memory_space<vmem>>, vector<1x1000x128xf32>
    %get3A_43 = vector.shape_cast %get3A_42 : vector<1x1000x128xf32> to vector<1000x128xf32>
    %add3A_44 = arith.addf %add3A_38, %get3A_43 : vector<1000x128xf32>
    %get3A_45 = arith.constant 0 : index
    %get3A_46 = arith.constant 0 : index
    %get3A_47 = vector.load %arg4[%get3A_45, %get3A_46] : memref<128x128xf32, #tpu.memory_space<vmem>>, vector<128x128xf32>
    %dot_general3A = arith.constant dense<0.000000e+00> : vector<1000x128xf32>
    %dot_general3A_48 = tpu.matmul %add3A_44, %get3A_47, %dot_general3A {dimension_numbers = #tpu.dot_dimension_numbers<[1], [0], [0], [1], [0, 0, 1, 1], [], []>, transpose_lhs_hint = false} : vector<1000x128xf32>, vector<128x128xf32>, vector<1000x128xf32> -> vector<1000x128xf32>
    %add3A_49 = vector.broadcast %get3A_1 : vector<1x128xf32> to vector<1000x128xf32>
    %add3A_50 = arith.addf %dot_general3A_48, %add3A_49 : vector<1000x128xf32>
    %reduce_sum3A = arith.constant dense<0.000000e+00> : vector<1000xf32>
    %reduce_sum3A_51 = vector.multi_reduction <add>, %add3A_50, %reduce_sum3A [1] : vector<1000x128xf32> to vector<1000xf32>
    %broadcast_in_dim3A = vector.shape_cast %reduce_sum3A_51 : vector<1000xf32> to vector<1000x1xf32>
    %div3A = arith.constant 1.280000e+02 : f32
    %div3A_52 = vector.broadcast %div3A : f32 to vector<1000x1xf32>
    %div3A_53 = arith.divf %broadcast_in_dim3A, %div3A_52 : vector<1000x1xf32>
    %sub3A = vector.broadcast %div3A_53 : vector<1000x1xf32> to vector<1000x128xf32>
    %sub3A_54 = arith.subf %add3A_50, %sub3A : vector<1000x128xf32>
    %integer_pow3A = arith.mulf %sub3A_54, %sub3A_54 : vector<1000x128xf32>
    %reduce_sum3A_55 = arith.constant dense<0.000000e+00> : vector<1000xf32>
    %reduce_sum3A_56 = vector.multi_reduction <add>, %integer_pow3A, %reduce_sum3A_55 [1] : vector<1000x128xf32> to vector<1000xf32>
    %broadcast_in_dim3A_57 = vector.shape_cast %reduce_sum3A_56 : vector<1000xf32> to vector<1000x1xf32>
    %div3A_58 = arith.constant 1.280000e+02 : f32
    %div3A_59 = vector.broadcast %div3A_58 : f32 to vector<1000x1xf32>
    %div3A_60 = arith.divf %broadcast_in_dim3A_57, %div3A_59 : vector<1000x1xf32>
    %sub3A_61 = vector.broadcast %div3A_53 : vector<1000x1xf32> to vector<1000x128xf32>
    %sub3A_62 = arith.subf %add3A_50, %sub3A_61 : vector<1000x128xf32>
    %add3A_63 = arith.constant 9.99999974E-6 : f32
    %add3A_64 = vector.broadcast %add3A_63 : f32 to vector<1000x1xf32>
    %add3A_65 = arith.addf %div3A_60, %add3A_64 : vector<1000x1xf32>
    %rsqrt3A = math.rsqrt %add3A_65 : vector<1000x1xf32>
    %mul3A_66 = vector.broadcast %rsqrt3A : vector<1000x1xf32> to vector<1000x128xf32>
    %mul3A_67 = arith.mulf %sub3A_62, %mul3A_66 : vector<1000x128xf32>
    %mul3A_68 = vector.broadcast %get3A_4 : vector<1x128xf32> to vector<1000x128xf32>
    %mul3A_69 = arith.mulf %mul3A_67, %mul3A_68 : vector<1000x128xf32>
    %add3A_70 = vector.broadcast %get3A_7 : vector<1x128xf32> to vector<1000x128xf32>
    %add3A_71 = arith.addf %mul3A_69, %add3A_70 : vector<1000x128xf32>
    %max3A = arith.constant 0.000000e+00 : f32
    %max3A_72 = vector.broadcast %max3A : f32 to vector<1000x128xf32>
    %max3A_73 = arith.maximumf %add3A_71, %max3A_72 : vector<1000x128xf32>
    %get3A_74 = arith.constant 0 : index
    %get3A_75 = arith.constant 0 : index
    %get3A_76 = vector.load %arg5[%get3A_74, %get3A_75] : memref<128x128xf32, #tpu.memory_space<vmem>>, vector<128x128xf32>
    %dot_general3A_77 = arith.constant dense<0.000000e+00> : vector<1000x128xf32>
    %dot_general3A_78 = tpu.matmul %max3A_73, %get3A_76, %dot_general3A_77 {dimension_numbers = #tpu.dot_dimension_numbers<[1], [0], [0], [1], [0, 0, 1, 1], [], []>, transpose_lhs_hint = false} : vector<1000x128xf32>, vector<128x128xf32>, vector<1000x128xf32> -> vector<1000x128xf32>
    %add3A_79 = vector.broadcast %get3A_10 : vector<1x128xf32> to vector<1000x128xf32>
    %add3A_80 = arith.addf %dot_general3A_78, %add3A_79 : vector<1000x128xf32>
    %reduce_sum3A_81 = arith.constant dense<0.000000e+00> : vector<1000xf32>
    %reduce_sum3A_82 = vector.multi_reduction <add>, %add3A_80, %reduce_sum3A_81 [1] : vector<1000x128xf32> to vector<1000xf32>
    %broadcast_in_dim3A_83 = vector.shape_cast %reduce_sum3A_82 : vector<1000xf32> to vector<1000x1xf32>
    %div3A_84 = arith.constant 1.280000e+02 : f32
    %div3A_85 = vector.broadcast %div3A_84 : f32 to vector<1000x1xf32>
    %div3A_86 = arith.divf %broadcast_in_dim3A_83, %div3A_85 : vector<1000x1xf32>
    %sub3A_87 = vector.broadcast %div3A_86 : vector<1000x1xf32> to vector<1000x128xf32>
    %sub3A_88 = arith.subf %add3A_80, %sub3A_87 : vector<1000x128xf32>
    %integer_pow3A_89 = arith.mulf %sub3A_88, %sub3A_88 : vector<1000x128xf32>
    %reduce_sum3A_90 = arith.constant dense<0.000000e+00> : vector<1000xf32>
    %reduce_sum3A_91 = vector.multi_reduction <add>, %integer_pow3A_89, %reduce_sum3A_90 [1] : vector<1000x128xf32> to vector<1000xf32>
    %broadcast_in_dim3A_92 = vector.shape_cast %reduce_sum3A_91 : vector<1000xf32> to vector<1000x1xf32>
    %div3A_93 = arith.constant 1.280000e+02 : f32
    %div3A_94 = vector.broadcast %div3A_93 : f32 to vector<1000x1xf32>
    %div3A_95 = arith.divf %broadcast_in_dim3A_92, %div3A_94 : vector<1000x1xf32>
    %sub3A_96 = vector.broadcast %div3A_86 : vector<1000x1xf32> to vector<1000x128xf32>
    %sub3A_97 = arith.subf %add3A_80, %sub3A_96 : vector<1000x128xf32>
    %add3A_98 = arith.constant 9.99999974E-6 : f32
    %add3A_99 = vector.broadcast %add3A_98 : f32 to vector<1000x1xf32>
    %add3A_100 = arith.addf %div3A_95, %add3A_99 : vector<1000x1xf32>
    %rsqrt3A_101 = math.rsqrt %add3A_100 : vector<1000x1xf32>
    %mul3A_102 = vector.broadcast %rsqrt3A_101 : vector<1000x1xf32> to vector<1000x128xf32>
    %mul3A_103 = arith.mulf %sub3A_97, %mul3A_102 : vector<1000x128xf32>
    %mul3A_104 = vector.broadcast %get3A_13 : vector<1x128xf32> to vector<1000x128xf32>
    %mul3A_105 = arith.mulf %mul3A_103, %mul3A_104 : vector<1000x128xf32>
    %add3A_106 = vector.broadcast %get3A_16 : vector<1x128xf32> to vector<1000x128xf32>
    %add3A_107 = arith.addf %mul3A_105, %add3A_106 : vector<1000x128xf32>
    %max3A_108 = arith.constant 0.000000e+00 : f32
    %max3A_109 = vector.broadcast %max3A_108 : f32 to vector<1000x128xf32>
    %max3A_110 = arith.maximumf %add3A_107, %max3A_109 : vector<1000x128xf32>
    %get3A_111 = arith.constant 0 : index
    %get3A_112 = arith.constant 0 : index
    %get3A_113 = vector.load %arg6[%get3A_111, %get3A_112] : memref<128x128xf32, #tpu.memory_space<vmem>>, vector<128x128xf32>
    %dot_general3A_114 = arith.constant dense<0.000000e+00> : vector<1000x128xf32>
    %dot_general3A_115 = tpu.matmul %max3A_110, %get3A_113, %dot_general3A_114 {dimension_numbers = #tpu.dot_dimension_numbers<[1], [0], [0], [1], [0, 0, 1, 1], [], []>, transpose_lhs_hint = false} : vector<1000x128xf32>, vector<128x128xf32>, vector<1000x128xf32> -> vector<1000x128xf32>
    %add3A_116 = vector.broadcast %get3A_19 : vector<1x128xf32> to vector<1000x128xf32>
    %add3A_117 = arith.addf %dot_general3A_115, %add3A_116 : vector<1000x128xf32>
    %reduce_sum3A_118 = arith.constant dense<0.000000e+00> : vector<1000xf32>
    %reduce_sum3A_119 = vector.multi_reduction <add>, %add3A_117, %reduce_sum3A_118 [1] : vector<1000x128xf32> to vector<1000xf32>
    %broadcast_in_dim3A_120 = vector.shape_cast %reduce_sum3A_119 : vector<1000xf32> to vector<1000x1xf32>
    %div3A_121 = arith.constant 1.280000e+02 : f32
    %div3A_122 = vector.broadcast %div3A_121 : f32 to vector<1000x1xf32>
    %div3A_123 = arith.divf %broadcast_in_dim3A_120, %div3A_122 : vector<1000x1xf32>
    %sub3A_124 = vector.broadcast %div3A_123 : vector<1000x1xf32> to vector<1000x128xf32>
    %sub3A_125 = arith.subf %add3A_117, %sub3A_124 : vector<1000x128xf32>
    %integer_pow3A_126 = arith.mulf %sub3A_125, %sub3A_125 : vector<1000x128xf32>
    %reduce_sum3A_127 = arith.constant dense<0.000000e+00> : vector<1000xf32>
    %reduce_sum3A_128 = vector.multi_reduction <add>, %integer_pow3A_126, %reduce_sum3A_127 [1] : vector<1000x128xf32> to vector<1000xf32>
    %broadcast_in_dim3A_129 = vector.shape_cast %reduce_sum3A_128 : vector<1000xf32> to vector<1000x1xf32>
    %div3A_130 = arith.constant 1.280000e+02 : f32
    %div3A_131 = vector.broadcast %div3A_130 : f32 to vector<1000x1xf32>
    %div3A_132 = arith.divf %broadcast_in_dim3A_129, %div3A_131 : vector<1000x1xf32>
    %sub3A_133 = vector.broadcast %div3A_123 : vector<1000x1xf32> to vector<1000x128xf32>
    %sub3A_134 = arith.subf %add3A_117, %sub3A_133 : vector<1000x128xf32>
    %add3A_135 = arith.constant 9.99999974E-6 : f32
    %add3A_136 = vector.broadcast %add3A_135 : f32 to vector<1000x1xf32>
    %add3A_137 = arith.addf %div3A_132, %add3A_136 : vector<1000x1xf32>
    %rsqrt3A_138 = math.rsqrt %add3A_137 : vector<1000x1xf32>
    %mul3A_139 = vector.broadcast %rsqrt3A_138 : vector<1000x1xf32> to vector<1000x128xf32>
    %mul3A_140 = arith.mulf %sub3A_134, %mul3A_139 : vector<1000x128xf32>
    %mul3A_141 = vector.broadcast %get3A_22 : vector<1x128xf32> to vector<1000x128xf32>
    %mul3A_142 = arith.mulf %mul3A_140, %mul3A_141 : vector<1000x128xf32>
    %add3A_143 = vector.broadcast %get3A_25 : vector<1x128xf32> to vector<1000x128xf32>
    %add3A_144 = arith.addf %mul3A_142, %add3A_143 : vector<1000x128xf32>
    %max3A_145 = arith.constant 0.000000e+00 : f32
    %max3A_146 = vector.broadcast %max3A_145 : f32 to vector<1000x128xf32>
    %max3A_147 = arith.maximumf %add3A_144, %max3A_146 : vector<1000x128xf32>
    %swap3A = arith.constant 0 : index
    %swap3A_148 = arith.constant 0 : index
    %swap3A_149 = vector.load %arg9[%swap3A, %swap3A_148] : memref<1000x128xf32, #tpu.memory_space<vmem>>, vector<1000x128xf32>
    tpu.vector_store %arg9[%swap3A, %swap3A_148], %max3A_147 {strides = array<i32>} : memref<1000x128xf32, #tpu.memory_space<vmem>>, vector<1000x128xf32>,
    return
  }
  func.func @transform_0(%arg0: i32) -> (i32, i32) {
    %c0_i32 = arith.constant 0 : i32
    %c0_i32_0 = arith.constant 0 : i32
    return %arg0, %c0_i32 : i32, i32
  }
  func.func @transform_1(%arg0: i32) -> (i32, i32, i32) {
    %c0_i32 = arith.constant 0 : i32
    %c0_i32_0 = arith.constant 0 : i32
    %c0_i32_1 = arith.constant 0 : i32
    return %c0_i32, %arg0, %c0_i32_0 : i32, i32, i32
  }
  func.func @transform_2(%arg0: i32) -> (i32, i32, i32) {
    %c1_i32 = arith.constant 1 : i32
    %c0_i32 = arith.constant 0 : i32
    %c0_i32_0 = arith.constant 0 : i32
    return %c1_i32, %arg0, %c0_i32 : i32, i32, i32
  }
  func.func @transform_3(%arg0: i32) -> (i32, i32) {
    %c0_i32 = arith.constant 0 : i32
    %c0_i32_0 = arith.constant 0 : i32
    %c0_i32_1 = arith.constant 0 : i32
    return %c0_i32, %c0_i32_0 : i32, i32
  }
  func.func @transform_4(%arg0: i32) -> (i32, i32) {
    %c0_i32 = arith.constant 0 : i32
    %c0_i32_0 = arith.constant 0 : i32
    %c0_i32_1 = arith.constant 0 : i32
    return %c0_i32, %c0_i32_0 : i32, i32
  }
  func.func @transform_5(%arg0: i32) -> (i32, i32) {
    %c0_i32 = arith.constant 0 : i32
    %c0_i32_0 = arith.constant 0 : i32
    %c0_i32_1 = arith.constant 0 : i32
    return %c0_i32, %c0_i32_0 : i32, i32
  }
  func.func @transform_6(%arg0: i32) -> (i32, i32) {
    %c0_i32 = arith.constant 0 : i32
    %c0_i32_0 = arith.constant 0 : i32
    %c0_i32_1 = arith.constant 0 : i32
    return %c0_i32, %c0_i32_0 : i32, i32
  }
  func.func @transform_7(%arg0: i32) -> i32 {
    %c0_i32 = arith.constant 0 : i32
    %c0_i32_0 = arith.constant 0 : i32
    return %c0_i32 : i32
  }
  func.func @transform_8(%arg0: i32) -> (i32, i32) {
    %c0_i32 = arith.constant 0 : i32
    %c0_i32_0 = arith.constant 0 : i32
    return %arg0, %c0_i32 : i32, i32
  }
}

</mosaic_0001>

<sc_bundles>
// kernel: kernel.4.cloned.1.call-start
scs
__scs_entry_jumppad:
0x0: {  	(pc) =	sbr.rel $0x88, $3  }
0x1: {  	(tag) =	ssettag $0x0;
	lr =	simm.s32 $0x1  }
0x2: {  	[smem:$0x3F92] =	sst lr;
	_ =	strace $0xD0000000  }
0x3: {  	_ = 	snop  }
0x4: {  	_ = 	snop  }
0x5: {  	_ = 	snop  }
0x6: {  	_ = 	snop  }
0x7: {  	_ = 	snop  }
__scs_overlays_trampoline_lowered:
0x8: {  	[smem:$0x3FA1] =	sst s0  }
0x9: {  	[smem:$0x3FA2] =	sst s1  }
0xa: {  	[smem:$0x3FA3] =	sst s2  }
0xb: {  	[smem:$0x3FA4] =	sst s3  }
0xc: {  	[smem:$0x3FA5] =	sst s4  }
0xd: {  	[smem:$0x3FA6] =	sst s5  }
0xe: {  	[smem:$0x3FA7] =	sst s6  }
0xf: {  	[smem:$0x3FA8] =	sst s7  }
0x10: {  	[smem:$0x3FA9] =	sst s8  }
0x11: {  	[smem:$0x3FAA] =	sst s9;
	s0 =	simm.s32 @!p0 $0x0  }
0x12: {  	s1 =	sld [smem:$0x3F90];
	s0 =	simm.s32 @p0 $0x1  }
0x13: {  	[smem:$0x3FAB] =	sst s0;
	s0 =	simm.s32 @!p1 $0x0  }
0x14: {  	s2 =	sld [smem:$0x3F8F];
	s0 =	simm.s32 @p1 $0x1  }
0x15: {  	[smem:$0x3FAC] =	sst s0;
	s0 =	simm.s32 @!p2 $0x0  }
0x16: {  	s3 =	sld [smem:$0x3FDB];
	s0 =	simm.s32 @p2 $0x1  }
0x17: {  	s4 =	simm.s32 $0x1BF5;
	[smem:$0x3FAE] =	sst s0  }
0x18: {  	s0 =	sld [smem:$0x3F91];
	_ =	swait.ge [sflag:s4], $0x0  }
0x19: {  	s7 =	sld [smem:$0x3F92]  }
0x1a: {  	s8 =	sadd.s32 $0xFFFFE003, lr  }
0x1b: {  	s9 =	sadd.s32 $0xFFFFFEF7, lr;
	s5 =	simm.s32 $0xFFFFFFFF;
	p2 =	slt.u32 s8, $0xFFFFF086  }
0x1c: {  	p1 =	slt.u32 s9, $0xF7A;
	s5 =	simm.s32 @!p2 $0x0  }
0x1d: {  	s5 =	simm.s32 @p1 $0x1;
	p0 =	seq.s32 s7, s2  }
0x1e: {  	s7 =	smul.u32 @!p0 $0xF7A, s2;
	p2 =	seq.s32 @!p0 s5, $0x0  }
0x1f: {  	s9 =	smul.u32 $0xF7A, s1;
	s8 =	simm.s32 @!p0 $0x1BF5;
	p2 =	por !p2, p0  }
0x20: {  	[sflag:s8] =	ssyncset.s32 @!p0 $0xFFFFF086;
	s6 =	sadd.s32 @!p0 s3, s7;
	s7 =	simm.s32 @!p0 $0x108  }
0x21: {  	s3 =	sadd.s32 s3, s9;
	s6 =	sadd.s32 @!p0 $0x88, s6;
	s7 =	simm.s32 @p2 $0x1082  }
0x22: {  	[simem:s7], [sflag:s8] =	dma.local @!p0 [hbm:s6], $0xF7A  }
0x23: {  	s9 =	sor.u32 $0xD0000000, s2;
	s6 =	simm.s32 $0x108;
	_ =	swait.ge @!p0 [sflag:s8], $0x0  }
0x24: {  	s3 =	sadd.s32 $0x88, s3;
	s6 =	simm.s32 @!p1 $0x1082;
	[sflag:s4] =	ssyncset.s32 $0xFFFFF086  }
0x25: {  	[simem:s6], [sflag:s4] =	dma.local [hbm:s3], $0xF7A  }
0x26: {  	[smem:$0x3F92] =	sst s1;
	(tag) =	ssettag s2;
	_ =	strace s9  }
0x27: {  	s1 =	sld [smem:$0x3FA2]  }
0x28: {  	s2 =	sld [smem:$0x3FA3]  }
0x29: {  	s4 =	sld [smem:$0x3FA5]  }
0x2a: {  	p0 =	seq.s32 s5, $0x0;
	s5 =	sld [smem:$0x3FA6]  }
0x2b: {  	s6 =	sld [smem:$0x3FA7]  }
0x2c: {  	s7 =	sld [smem:$0x3FA8]  }
0x2d: {  	s3 =	simm.s32 $0x108;
	s8 =	sld [smem:$0x3FA9]  }
0x2e: {  	s3 =	simm.s32 @!p0 $0x1082;
	s9 =	sld [smem:$0x3FAA]  }
0x2f: {  	lr =	sadd.s32 s0, s3;
	s0 =	sld [smem:$0x3FA1]  }
0x30: {  	s3 =	sld [smem:$0x3FA4]  }
0x31: {  	[smem:$0x3FAD] =	sst s10  }
0x32: {  	s10 =	sld [smem:$0x3FAB];
	_ =	sdelay $0x3  }
0x33: {  	p0 =	seq.s32 s10, $0x1;
	s10 =	sld [smem:$0x3FAD];
	_ =	sdelay $0x3  }
0x34: {  	[smem:$0x3FAD] =	sst s10  }
0x35: {  	s10 =	sld [smem:$0x3FAC];
	_ =	sdelay $0x3  }
0x36: {  	p1 =	seq.s32 s10, $0x1;
	s10 =	sld [smem:$0x3FAD];
	_ =	sdelay $0x3  }
0x37: {  	[smem:$0x3FAD] =	sst s10  }
0x38: {  	s10 =	sld [smem:$0x3FAE]  }
0x39: {  	_ = 	snop;
	(pc) =	sbr.ind lr, $3  }
0x3a: {  	_ = 	snop  }
0x3b: {  	_ = 	snop  }
0x3c: {  	p2 =	seq.s32 s10, $0x1;
	s10 =	sld [smem:$0x3FAD]  }
0x3d: {  	_ =	shalt  }
0x3e: {  	_ =	shalt  }
0x3f: {  	_ =	shalt  }
0x40: {  	_ =	shalt  }
0x41: {  	_ =	shalt  }
0x42: {  	_ =	shalt  }
0x43: {  	_ =	shalt  }
0x44: {  	_ =	shalt  }
0x45: {  	_ =	shalt  }
0x46: {  	_ =	shalt  }
0x47: {  	_ =	shalt  }
0x48: {  	_ =	shalt  }
0x49: {  	_ =	shalt  }
0x4a: {  	_ =	shalt  }
0x4b: {  	_ =	shalt  }
0x4c: {  	_ =	shalt  }
0x4d: {  	_ =	shalt  }
0x4e: {  	_ =	shalt  }
0x4f: {  	_ =	shalt  }
0x50: {  	_ =	shalt  }
0x51: {  	_ =	shalt  }
0x52: {  	_ =	shalt  }
0x53: {  	_ =	shalt  }
0x54: {  	_ =	shalt  }
0x55: {  	_ =	shalt  }
0x56: {  	_ =	shalt  }
0x57: {  	_ =	shalt  }
0x58: {  	_ =	shalt  }
0x59: {  	_ =	shalt  }
0x5a: {  	_ =	shalt  }
0x5b: {  	_ =	shalt  }
0x5c: {  	_ =	shalt  }
0x5d: {  	_ =	shalt  }
0x5e: {  	_ =	shalt  }
0x5f: {  	_ =	shalt  }
0x60: {  	_ =	shalt  }
0x61: {  	_ =	shalt  }
0x62: {  	_ =	shalt  }
0x63: {  	_ =	shalt  }
0x64: {  	_ =	shalt  }
0x65: {  	_ =	shalt  }
0x66: {  	_ =	shalt  }
0x67: {  	_ =	shalt  }
0x68: {  	_ =	shalt  }
0x69: {  	_ =	shalt  }
0x6a: {  	_ =	shalt  }
0x6b: {  	_ =	shalt  }
0x6c: {  	_ =	shalt  }
0x6d: {  	_ =	shalt  }
0x6e: {  	_ =	shalt  }
0x6f: {  	_ =	shalt  }
0x70: {  	_ =	shalt  }
0x71: {  	_ =	shalt  }
0x72: {  	_ =	shalt  }
0x73: {  	_ =	shalt  }
0x74: {  	_ =	shalt  }
0x75: {  	_ =	shalt  }
0x76: {  	_ =	shalt  }
0x77: {  	_ =	shalt  }
0x78: {  	_ =	shalt  }
0x79: {  	_ =	shalt  }
0x7a: {  	_ =	shalt  }
0x7b: {  	_ =	shalt  }
0x7c: {  	_ =	shalt  }
0x7d: {  	_ =	shalt  }
0x7e: {  	_ =	shalt  }
0x7f: {  	_ =	shalt  }
0x80: {  	_ =	shalt  }
0x81: {  	_ =	shalt  }
0x82: {  	_ =	shalt  }
0x83: {  	_ =	shalt  }
0x84: {  	_ =	shalt  }
0x85: {  	_ =	shalt  }
0x86: {  	_ =	shalt  }
0x87: {  	_ =	shalt  }
.Lfunc_end0:
.L_simem_size_0:
called_computation_lowered:
.L_overlay_start_0:
0x88: {  	s2 =	sld [smem:$0x3FD9]  }
0x89: {  	s3 =	sld [smem:$0x3FFE];
	_ =	sdelay $0x1  }
0x8a: {  	s1 =	srdreg.scid  }
0x8b: {  	s0 =	sand.u32 $0x1, s1  }
0x8c: {  	s17 =	sshll.u32 s0, $0xA;
	s2 =	sadd.s32 s3, s2  }
0x8d: {  	s2 =	sadd.s32 s2, s17  }
0x8e: {  	[smem:$0x3FB9] =	sst s2  }
0x8f: {  	_ = 	snop  }
0x90: {  	s2 =	sld [smem:$0x3FC9]  }
0x91: {  	s18 =	sld [smem:$0x3FD0];
	(tm) =	ssettm $0x1  }
0x92: {  	s4 =	sld [smem:$0x3FFB];
	_ =	sdelay $0x3  }
0x93: {  	_ =	strace s4  }
0x94: {  	s4 =	sld [smem:$0x3FFC];
	_ =	sdelay $0x3  }
0x95: {  	_ =	strace s4  }
0x96: {  	s4 =	sld [smem:$0x3FFD];
	_ =	sdelay $0x3  }
0x97: {  	_ =	strace s4  }
0x98: {  	_ =	strace $0x8FFFFFFF  }
0x99: {  	s19 =	sld [smem:$0x3FDB];
	_ =	sdelay $0x1  }
0x9a: {  	s5 =	simm.s32 $_scs_section_size  }
0x9b: {  	s6 =	simm.s32 $_size__tile_overlayer_lowered;
	s7 =	simm.s32 $_tile_overlayer_lowered  }
0x9c: {  	s22 =	simm.s32 $0x1BFF;
	s21 =	sshll.u32 s7, $0x1;
	s4 =	sadd.s32 s5, s19  }
0x9d: {  	s8 =	simm.s32 $0x0;
	s20 =	sshll.u32 s6, $0x1;
	s6 =	sadd.s32 s21, s4  }
0x9e: {  	[timem:s8], [sflag:s22] =	dma.local [hbm:s6], s20  }
0x9f: {  	_ =	swait.ge [sflag:s22], s20  }
0xa0: {  	s5 =	ssub.s32 $0x0, s20;
	[sflag:s22] =	ssyncset.done $0x0  }
0xa1: {  	[sflag:s22] =	ssyncadd.s32 s5;
	_ =	sdelay $0x1  }
0xa2: {  	s23 =	simm.s32 $0x1B8B  }
0xa3: {  	_ =	swait.ge [sflag:s23], $0x1  }
0xa4: {  	[sflag:s23] =	ssyncset.done $0x0  }
0xa5: {  	s25 =	simm.s32 $0x1B8E;
	s24 =	sld [smem:$0x3FFE];
	[sflag:s23] =	ssyncadd.s32 $0xFFFFFFFF  }
0xa6: {  	s26 =	simm.s32 $execute0_lowered;
	[smem:$0x3FD2] =	sst s25  }
0xa7: {  	s6 =	sshll.u32 s26, $0x1;
	_ =	strace $0x80000046;
	[dreg:$0x1] =	wrdreg $0xFFFFFFFF  }
0xa8: {  	s28 =	simm.s32 $_size_execute0_lowered;
	s4 =	sadd.s32 s4, s6;
	[dreg:$0x0] =	wrdreg $0x0  }
0xa9: {  	s6 =	sshll.u32 s28, $0x1;
	[dreg:$0x2] =	wrdreg s4  }
0xaa: {  	[dreg:$0x3] =	wrdreg s6  }
0xab: {  	[dreg:$0x4] =	wrdreg $0xC0  }
0xac: {  	_ =	task [dreg:s8], $0x5FFFF  }
0xad: {  	[dreg:$0x1] =	wrdreg $0xFFFFFFFF  }
0xae: {  	[dreg:$0x0] =	wrdreg $0x60  }
0xaf: {  	[dreg:$0x2] =	wrdreg s2  }
0xb0: {  	[dreg:$0x3] =	wrdreg s18  }
0xb1: {  	[dreg:$0x4] =	wrdreg s24  }
0xb2: {  	[dreg:$0x5] =	wrdreg $0x84000  }
0xb3: {  	[dreg:$0x6] =	wrdreg $0x9  }
0xb4: {  	_ =	task.clear_ibuf [dreg:s8], $0x7FFFF;
	_ =	strace $0x90000046  }
0xb5: {  	s29 =	simm.s32 $0x9;
	_ =	strace $0x80000048  }
0xb6: {  	_ =	swait.ge [sflag:s29], $0x1  }
0xb7: {  	[sflag:s29] =	ssyncadd.s32 $0xFFFFFFFF  }
0xb8: {  	_ =	strace $0x90000048  }
0xb9: {  	_ =	sfence  }
0xba: {  	s30 =	sld [smem:$0x0];
	_ =	sdelay $0x2  }
0xbb: {  	s31 =	sshll.u32 s1, $0xD;
	s1 =	sshrl.u32 s1, $0x2  }
0xbc: {  	s3 =	sand.u32 $0x4000, s31;
	s1 =	sadd.s32 s1, s30  }
0xbd: {  	s0 =	sor.u32 s3, s0;
	s1 =	sshll.u32 s1, $0x11  }
0xbe: {  	s0 =	sor.u32 s1, s0  }
0xbf: {  	s0 =	sadd.s32 $0x8F2B, s0  }
0xc0: {  	[sflag:s0] =	ssyncadd.remote.s32 $0x1  }
0xc1: {  	_ =	sfence.sel $0xFFFF  }
0xc2: {  	[dreg:$0x0] =	wrdreg $0xFFFFFFFF;
	(pc) =	sbr.abs _section_cstart, $3  }
0xc3: {  	[dreg:$0x1] =	wrdreg $0xFFFFFFFF  }
0xc4: {  	_ =	task.clear_ibuf [dreg:s8], $0x2FFFF;
	_ =	strace $0x9FFFFFFF  }
0xc5: {  	(tm) =	ssettm $0x7FFFFFFF  }
tec
execute0_lowered:
.L_overlay_start_1:
0x0: {  	(tag) =	ssettag $0x1  }
0x1: {  	s1 =	rddreg [dreg:$0x0]  }
0x2: {  	s0 =	rddreg [dreg:$0x1]  }
0x3: {  	s3 =	rddreg [dreg:$0x2]  }
0x4: {  	s2 =	rddreg [dreg:$0x3]  }
0x5: {  	s4 =	srdreg.scid;
	s10 =	stileid.u32  }
0x6: {  	s28 =	simm.s32 $0x5;
	s29 =	simm.s32 $0x2;
	s7 =	smul.u32 $0x14000, s10  }
0x7: {  	s30 =	simm.s32 $0x180;
	s31 =	simm.s32 $0x6;
	s8 =	smul.u32 $0x98, s10  }
0x8: {  	s6 =	sand.u32 $0x1, s4;
	s4 =	simm.s32 $0x0;
	s17 =	smul.u32 $0x50000, s10  }
0x9: {  	s9 =	sshll.u32 s10, $0x3;
	s5 =	smul.u32 $0x140000, s6;
	[smem:$0x7FF] =	sst s4  }
0xa: {  	p0 =	seq.s32 s6, $0x0;
	s18 =	ssub.s32 $0x2, s6;
	_ =	strace $0x80000047  }
0xb: {  	s20 =	sshrl.u32 s18, $0x1;
	s21 =	sshrl.u32 s17, $0x2;
	s17 =	simm.s32 $0x100  }
0xc: {  	s5 =	sadd.s32 s7, s5;
	s7 =	sor.u32 $0x980, s9;
	s22 =	ssub.s32 s18, s20  }
0xd: {  	s18 =	simm.s32 $0x200;
	s20 =	simm.s32 $0x400;
	s5 =	sshrl.u32 s5, $0x3  }
0xe: {  	s7 =	smov.u32 @p0 s8;
	s15 =	smax.u32 s22, $0x1;
	s22 =	simm.s32 $0x3  }
0xf: {  	p0 =	sne.s32 s6, $0x0;
	s6 =	simm.s32 $0x0;
	s3 =	sadd.s32 s5, s3  }
0x10: {  	s19 =	sshll.u32 s7, $0x5;
	s7 =	sadd.s32 s21, s2;
	s21 =	simm.s32 $0x7  }
0x11: {  	s5 =	sadd.s32 s0, s19;
	s26 =	sadd.s32 $0x4000, s7;
	s11 =	sadd.s32 $0x8000, s7  }
0x12: {  	s12 =	sadd.s32 $0xC000, s7;
	s13 =	sadd.s32 $0x10000, s7;
	s14 =	sadd.s32 $0x1E00, s3  }
0x13: {  	s19 =	simm.s32 $0x300;
	s23 =	sadd.s32 $0x20, s5;
	[dreg:$0x8] =	wrdreg s26  }
0x14: {  	s0 =	simm.s32 $0x280;
	s24 =	sadd.s32 $0x40, s5;
	[dreg:$0x5] =	wrdreg s23  }
0x15: {  	s3 =	simm.s32 $0x380;
	s25 =	sadd.s32 $0x60, s5;
	[dreg:$0x6] =	wrdreg s24  }
0x16: {  	s9 =	sadd.s32 $0xE0, s5;
	s26 =	simm.s32 $0x1;
	[dreg:$0x7] =	wrdreg s25  }
0x17: {  	v0 =	vimm.f32 $0.0e+00;
	s23 =	simm.s32 $0x80;
	s24 =	simm.s32 $0x4;
	s25 =	simm.s32 $0x4400  }
.LBB2_1:
0x18: {  	[tilespmem:s4], [sflag:$0x3] =	stream.linear.gather [hbm4b:s5+s4], $0x100, $0x38;
	[tilespmem:$0x1C400] =	vst v63  }
0x19: {  	s8 =	rddreg [dreg:$0x5]  }
0x1a: {  	[tilespmem:s17], [sflag:$0x4] =	stream.linear.gather [hbm4b:s8+s4], $0x100, $0x38;
	[tilespmem:$0x1C400] =	vst v63  }
0x1b: {  	s10 =	rddreg [dreg:$0x6]  }
0x1c: {  	[tilespmem:s18], [sflag:$0x5] =	stream.linear.gather [hbm4b:s10+s4], $0x100, $0x38;
	[tilespmem:$0x1C400] =	vst v63  }
0x1d: {  	s16 =	rddreg [dreg:$0x7]  }
0x1e: {  	[tilespmem:s19], [sflag:$0x6] =	stream.linear.gather [hbm4b:s16+s4], $0x100, $0x38;
	[tilespmem:$0x1C400] =	vst v63  }
0x1f: {  	s8 =	simm.s32 $0x0;
	s16 =	simm.s32 $0x200  }
.LBB2_2:
0x20: {  	p1 =	sne.s32 s16, $0xFE00;
	[tilespmem:s8+$0x470] =	vst v0  }
0x21: {  	[tilespmem:s8+$0x400] =	vst v0  }
0x22: {  	[tilespmem:s8+$0x410] =	vst v0  }
.Ltmp0:
0x23: {  	[tilespmem:s8+$0x420] =	vst v0;
	(pc) =	sbr.rel @p1 .LBB2_2-.Ltmp0, $4  }
0x24: {  	[tilespmem:s8+$0x430] =	vst v0  }
0x25: {  	[tilespmem:s8+$0x440] =	vst v0  }
0x26: {  	[tilespmem:s8+$0x450] =	vst v0  }
0x27: {  	[tilespmem:s8+$0x460] =	vst v0;
	s8 =	sshra.s32 s16, $0x2;
	s16 =	sadd.s32 $0x200, s16  }
0x28: {  	[tilespmem:s8+$0x470] =	vst v0  }
0x29: {  	[tilespmem:s8+$0x400] =	vst v0  }
0x2a: {  	[tilespmem:s8+$0x410] =	vst v0  }
0x2b: {  	[tilespmem:s8+$0x420] =	vst v0  }
0x2c: {  	[tilespmem:s8+$0x430] =	vst v0  }
0x2d: {  	[tilespmem:s8+$0x440] =	vst v0  }
0x2e: {  	[tilespmem:s8+$0x450] =	vst v0  }
0x2f: {  	[tilespmem:s8+$0x460] =	vst v0  }
0x30: {  	[spmem:s7] =	stream.linear.scatter [tilespmem:s20], [sflag:$0x7], $0x4000, $0x38;
	[tilespmem:$0x1C400] =	vst v63  }
0x31: {  	_ =	swait.ge [sflag:s21], $0x4000  }
0x32: {  	[sflag:s21] =	ssyncset.done $0x0  }
0x33: {  	s16 =	rddreg [dreg:$0x8];
	[sflag:s21] =	ssyncadd.s32 $0xFFFFC000  }
0x34: {  	[spmem:s16] =	stream.linear.scatter [tilespmem:s20], [sflag:$0x7], $0x4000, $0x38;
	[tilespmem:$0x1C400] =	vst v63  }
0x35: {  	_ =	swait.ge [sflag:s21], $0x4000  }
0x36: {  	[sflag:s21] =	ssyncset.done $0x0  }
0x37: {  	[sflag:s21] =	ssyncadd.s32 $0xFFFFC000  }
0x38: {  	[spmem:s11] =	stream.linear.scatter [tilespmem:s20], [sflag:$0x7], $0x4000, $0x38;
	[tilespmem:$0x1C400] =	vst v63  }
0x39: {  	_ =	swait.ge [sflag:s21], $0x4000  }
0x3a: {  	[sflag:s21] =	ssyncset.done $0x0  }
0x3b: {  	[sflag:s21] =	ssyncadd.s32 $0xFFFFC000  }
0x3c: {  	[spmem:s12] =	stream.linear.scatter [tilespmem:s20], [sflag:$0x7], $0x4000, $0x38;
	[tilespmem:$0x1C400] =	vst v63  }
0x3d: {  	_ =	swait.ge [sflag:s21], $0x4000  }
0x3e: {  	[sflag:s21] =	ssyncset.done $0x0  }
0x3f: {  	[sflag:s21] =	ssyncadd.s32 $0xFFFFC000  }
0x40: {  	[spmem:s13] =	stream.linear.scatter [tilespmem:s20], [sflag:$0x7], $0x4000, $0x38;
	[tilespmem:$0x1C400] =	vst v63  }
0x41: {  	_ =	swait.ge [sflag:s21], $0x4000  }
0x42: {  	[sflag:s21] =	ssyncset.done $0x0  }
0x43: {  	[sflag:s21] =	ssyncadd.s32 $0xFFFFC000  }
0x44: {  	_ =	swait.ge [sflag:s22], $0x100  }
0x45: {  	[sflag:s22] =	ssyncset.done $0x0  }
0x46: {  	s8 =	simm.s32 $0x0;
	[sflag:s22] =	ssyncadd.s32 $0xFFFFFF00  }
0x47: {  	[tilespmem:s20], [sflag:$0x1] =	stream.indirect.gather [hbm4b:s1+s23], $0x80, s8, s23, $0xb8;
	[tilespmem:$0x1C400] =	vst v63  }
0x48: {  	_ =	swait.ge [sflag:s24], $0x100  }
0x49: {  	[sflag:s24] =	ssyncset.done $0x0  }
0x4a: {  	[sflag:s24] =	ssyncadd.s32 $0xFFFFFF00  }
0x4b: {  	[tilespmem:s25], [sflag:$0x2] =	stream.indirect.gather [hbm4b:s1+s23], $0x80, s17, s23, $0xb8;
	[tilespmem:$0x1C400] =	vst v63  }
0x4c: {  	s16 =	smov.u32 s9;
	[bflag:$0x0] =	sbarrier.arrive $0xFFFF  }
.LBB2_4:
0x4d: {  	_ =	swait.ge [sflag:s26], $0x4000  }
0x4e: {  	[sflag:s26] =	ssyncset.done $0x0  }
0x4f: {  	[sflag:s26] =	ssyncadd.s32 $0xFFFFC000  }
0x50: {  	[spmem:s2] =	stream.indirect.scatter.add.f32 [tilespmem:s20], [sflag:$0x7], $0x80, s23, s23, $0xb8;
	[tilespmem:$0x1C400] =	vst v63  }
0x51: {  	_ =	swait.ge [sflag:s21], $0x4000  }
0x52: {  	[sflag:s21] =	ssyncset.done $0x0  }
0x53: {  	s10 =	sadd.s32 $0xFFFFFFA0, s16;
	[sflag:s21] =	ssyncadd.s32 $0xFFFFC000  }
0x54: {  	[tilespmem:s4], [sflag:$0x3] =	stream.linear.gather [hbm4b:s10+s4], $0x100, $0x38;
	[tilespmem:$0x1C400] =	vst v63  }
0x55: {  	_ =	swait.ge [sflag:s28], $0x100  }
0x56: {  	[sflag:s28] =	ssyncset.done $0x0  }
0x57: {  	[sflag:s28] =	ssyncadd.s32 $0xFFFFFF00  }
0x58: {  	[tilespmem:s20], [sflag:$0x1] =	stream.indirect.gather [hbm4b:s1+s23], $0x80, s18, s23, $0xb8;
	[tilespmem:$0x1C400] =	vst v63  }
0x59: {  	_ =	swait.ge [sflag:s29], $0x4000  }
0x5a: {  	[sflag:s29] =	ssyncset.done $0x0  }
0x5b: {  	[sflag:s29] =	ssyncadd.s32 $0xFFFFC000  }
0x5c: {  	[spmem:s2] =	stream.indirect.scatter.add.f32 [tilespmem:s25], [sflag:$0x7], $0x80, s30, s23, $0xb8;
	[tilespmem:$0x1C400] =	vst v63  }
0x5d: {  	_ =	swait.ge [sflag:s21], $0x4000  }
0x5e: {  	[sflag:s21] =	ssyncset.done $0x0  }
0x5f: {  	s10 =	sadd.s32 $0xFFFFFFC0, s16;
	[sflag:s21] =	ssyncadd.s32 $0xFFFFC000  }
0x60: {  	[tilespmem:s17], [sflag:$0x4] =	stream.linear.gather [hbm4b:s10+s4], $0x100, $0x38;
	[tilespmem:$0x1C400] =	vst v63  }
0x61: {  	_ =	swait.ge [sflag:s31], $0x100  }
0x62: {  	[sflag:s31] =	ssyncset.done $0x0  }
0x63: {  	[sflag:s31] =	ssyncadd.s32 $0xFFFFFF00  }
0x64: {  	[tilespmem:s25], [sflag:$0x2] =	stream.indirect.gather [hbm4b:s1+s23], $0x80, s19, s23, $0xb8;
	[tilespmem:$0x1C400] =	vst v63  }
0x65: {  	_ =	swait.ge [sflag:s26], $0x4000  }
0x66: {  	[sflag:s26] =	ssyncset.done $0x0  }
0x67: {  	[sflag:s26] =	ssyncadd.s32 $0xFFFFC000  }
0x68: {  	[spmem:s2] =	stream.indirect.scatter.add.f32 [tilespmem:s20], [sflag:$0x7], $0x80, s0, s23, $0xb8;
	[tilespmem:$0x1C400] =	vst v63  }
0x69: {  	_ =	swait.ge [sflag:s21], $0x4000  }
0x6a: {  	[sflag:s21] =	ssyncset.done $0x0  }
0x6b: {  	s10 =	sadd.s32 $0xFFFFFFE0, s16;
	[sflag:s21] =	ssyncadd.s32 $0xFFFFC000  }
0x6c: {  	[tilespmem:s18], [sflag:$0x5] =	stream.linear.gather [hbm4b:s10+s4], $0x100, $0x38;
	[tilespmem:$0x1C400] =	vst v63  }
0x6d: {  	_ =	swait.ge [sflag:s22], $0x100  }
0x6e: {  	[sflag:s22] =	ssyncset.done $0x0  }
0x6f: {  	[sflag:s22] =	ssyncadd.s32 $0xFFFFFF00  }
0x70: {  	[tilespmem:s20], [sflag:$0x1] =	stream.indirect.gather [hbm4b:s1+s23], $0x80, s4, s23, $0xb8;
	[tilespmem:$0x1C400] =	vst v63  }
0x71: {  	_ =	swait.ge [sflag:s29], $0x4000  }
0x72: {  	[sflag:s29] =	ssyncset.done $0x0  }
0x73: {  	[sflag:s29] =	ssyncadd.s32 $0xFFFFC000  }
0x74: {  	[spmem:s2] =	stream.indirect.scatter.add.f32 [tilespmem:s25], [sflag:$0x7], $0x80, s3, s23, $0xb8;
	[tilespmem:$0x1C400] =	vst v63  }
0x75: {  	_ =	swait.ge [sflag:s21], $0x4000  }
0x76: {  	p1 =	slt.u32 @!p0 s8, $0x24;
	[sflag:s21] =	ssyncset.done $0x0  }
0x77: {  	p1 =	por p0, !p1;
	[sflag:s21] =	ssyncadd.s32 $0xFFFFC000  }
0x78: {  	[tilespmem:s19], [sflag:$0x6] =	stream.linear.gather [hbm4b:s16+s4], $0x100, $0x38;
	[tilespmem:$0x1C400] =	vst v63  }
.Ltmp1:
0x79: {  	_ = 	snop;
	(pc) =	sbr.rel @!p1 .LBB2_4-.Ltmp1, $4  }
0x7a: {  	_ =	swait.ge [sflag:s24], $0x100  }
0x7b: {  	[sflag:s24] =	ssyncset.done $0x0  }
0x7c: {  	s8 =	sadd.s32 $0x1, s8;
	s16 =	sadd.s32 $0x80, s16;
	[sflag:s24] =	ssyncadd.s32 $0xFFFFFF00  }
0x7d: {  	[tilespmem:s25], [sflag:$0x2] =	stream.indirect.gather [hbm4b:s1+s23], $0x80, s17, s23, $0xb8;
	[tilespmem:$0x1C400] =	vst v63  }
0x7e: {  	_ =	swait.ge [sflag:s26], $0x4000  }
0x7f: {  	[sflag:s26] =	ssyncset.done $0x0  }
0x80: {  	[sflag:s26] =	ssyncadd.s32 $0xFFFFC000  }
0x81: {  	[spmem:s2] =	stream.indirect.scatter.add.f32 [tilespmem:s20], [sflag:$0x7], $0x80, s23, s23, $0xb8;
	[tilespmem:$0x1C400] =	vst v63  }
0x82: {  	_ =	swait.ge [sflag:s21], $0x4000  }
0x83: {  	[sflag:s21] =	ssyncset.done $0x0  }
0x84: {  	[sflag:s21] =	ssyncadd.s32 $0xFFFFC000  }
0x85: {  	_ =	swait.ge [sflag:s28], $0x100  }
0x86: {  	[sflag:s28] =	ssyncset.done $0x0  }
0x87: {  	[sflag:s28] =	ssyncadd.s32 $0xFFFFFF00  }
0x88: {  	[tilespmem:s20], [sflag:$0x1] =	stream.indirect.gather [hbm4b:s1+s23], $0x80, s18, s23, $0xb8;
	[tilespmem:$0x1C400] =	vst v63  }
0x89: {  	_ =	swait.ge [sflag:s29], $0x4000  }
0x8a: {  	[sflag:s29] =	ssyncset.done $0x0  }
0x8b: {  	[sflag:s29] =	ssyncadd.s32 $0xFFFFC000  }
0x8c: {  	[spmem:s2] =	stream.indirect.scatter.add.f32 [tilespmem:s25], [sflag:$0x7], $0x80, s30, s23, $0xb8;
	[tilespmem:$0x1C400] =	vst v63  }
0x8d: {  	_ =	swait.ge [sflag:s21], $0x4000  }
0x8e: {  	[sflag:s21] =	ssyncset.done $0x0  }
0x8f: {  	[sflag:s21] =	ssyncadd.s32 $0xFFFFC000  }
0x90: {  	_ =	swait.ge [sflag:s31], $0x100  }
0x91: {  	[sflag:s31] =	ssyncset.done $0x0  }
0x92: {  	[sflag:s31] =	ssyncadd.s32 $0xFFFFFF00  }
0x93: {  	[tilespmem:s25], [sflag:$0x2] =	stream.indirect.gather [hbm4b:s1+s23], $0x80, s19, s23, $0xb8;
	[tilespmem:$0x1C400] =	vst v63  }
0x94: {  	_ =	swait.ge [sflag:s26], $0x4000  }
0x95: {  	[sflag:s26] =	ssyncset.done $0x0  }
0x96: {  	[sflag:s26] =	ssyncadd.s32 $0xFFFFC000  }
0x97: {  	[spmem:s2] =	stream.indirect.scatter.add.f32 [tilespmem:s20], [sflag:$0x7], $0x80, s0, s23, $0xb8;
	[tilespmem:$0x1C400] =	vst v63  }
0x98: {  	_ =	swait.ge [sflag:s21], $0x4000  }
0x99: {  	[sflag:s21] =	ssyncset.done $0x0  }
0x9a: {  	[sflag:s21] =	ssyncadd.s32 $0xFFFFC000  }
0x9b: {  	_ =	swait.ge [sflag:s29], $0x4000  }
0x9c: {  	[sflag:s29] =	ssyncset.done $0x0  }
0x9d: {  	[sflag:s29] =	ssyncadd.s32 $0xFFFFC000  }
0x9e: {  	[spmem:s2] =	stream.indirect.scatter.add.f32 [tilespmem:s25], [sflag:$0x7], $0x80, s3, s23, $0xb8;
	[tilespmem:$0x1C400] =	vst v63  }
0x9f: {  	s8 =	stileid.u32;
	_ =	swait.ge [sflag:s21], $0x4000  }
0xa0: {  	s10 =	sshrl.u32 s7, $0x3;
	s6 =	sadd.s32 $0x1, s6;
	[sflag:s21] =	ssyncset.done $0x0  }
0xa1: {  	s8 =	sshll.u32 s8, $0x6;
	p1 =	sne.s32 s6, s15;
	[sflag:s21] =	ssyncadd.s32 $0xFFFFC000  }
.Ltmp2:
0xa2: {  	s8 =	sor.u32 $0x1C07, s8;
	[bflag:$0x0] =	sbarrier.arrive $0xFFFF;
	(pc) =	sbr.rel @p1 .LBB2_1-.Ltmp2, $4  }
0xa3: {  	[hbm:s14], [sflag:s8] =	dma.local [spmem:s10], $0x2800  }
0xa4: {  	_ =	swait.ge [sflag:s21], $0x2800  }
0xa5: {  	[sflag:s21] =	ssyncset.done $0x0  }
0xa6: {  	[sflag:s21] =	ssyncadd.s32 $0xFFFFD800  }
0xa7: {  	_ =	sfence.sel $0x180000  }
0xa8: {  	[bflag:$0x0] =	sbarrier.arrive $0xFFFF  }
0xa9: {  	_ =	strace $0x90000047  }
0xaa: {  	s0 =	stileid.u32;
	[bflag:$0x2] =	sbarrier.arrive $0xFFFF  }
0xab: {  	p0 =	sne.s32 s0, $0x0;
	s0 =	rddreg [dreg:$0x4]  }
0xac: {  	s0 =	sadd.s32 @!p0 $0x100000, s0  }
0xad: {  	[sflag:s0] =	ssyncadd.tile.s32 @!p0 $0x1;
	_ =	shalt  }
.Lfunc_end2:
_tile_overlayer_lowered:
.L_overlay_start_2:
0xae: {  	(tag) =	ssettag $0x2  }
0xaf: {  	s0 =	rddreg [dreg:$0x0];
	s2 =	stileid.u32  }
0xb0: {  	s1 =	rddreg [dreg:$0x1];
	p0 =	sne.s32 s2, $0x0  }
0xb1: {  	s3 =	rddreg [dreg:$0x2];
	[bflag:$0x3] =	sbarrier.arrive $0xFFFF;
	s2 =	simm.s32 @!p0 $0x1C07  }
0xb2: {  	[timem:s3], [sflag:s2] =	dma.local @!p0 [hbm:s0], s1  }
0xb3: {  	s0 =	simm.s32 @!p0 $0x7  }
0xb4: {  	_ =	swait.ge @!p0 [sflag:s0], s1  }
0xb5: {  	s1 =	ssub.s32 @!p0 $0x0, s1;
	[sflag:s0] =	ssyncset.done @!p0 $0x0  }
0xb6: {  	[sflag:s0] =	ssyncadd.s32 @!p0 s1  }
0xb7: {  	[bflag:$0x3] =	sbarrier.arrive $0xFFFF  }
0xb8: {  	_ =	shalt  }

</sc_bundles>
